<compile_context>
chip_gen: v7x
topology: tpu7x:2x2x1
jax: 0.10.2.dev20260603
libtpu: 0.0.44.dev20260713+nightly
codegen_flags: <defaults>
</compile_context>

<pallas_src>
import functools

import jax
import jax.numpy as jnp
from jax import lax
from jax.experimental import pallas as pl
from jax.experimental.pallas import tpu as pltpu
from jax.experimental.pallas import tpu_sc as plsc



_C1 = 16384


def _transform_body(t_ref, w_ref, b_ref, o_ref):
    y = lax.dot_general(
        t_ref[...], w_ref[...],
        (((0,), (1,)), ((), ())),
        preferred_element_type=jnp.float32,
    ) + b_ref[...]
    o_ref[:, 0:64] = y
    o_ref[:, 64:128] = y


def _transform_table(table_t, W, b2):
    H, V = table_t.shape
    grid = (V + _C1 - 1) // _C1
    return pl.pallas_call(
        _transform_body,
        grid=(grid,),
        in_specs=[
            pl.BlockSpec((H, _C1), lambda i: (0, i)),
            pl.BlockSpec((H, H), lambda i: (0, 0)),
            pl.BlockSpec((1, H), lambda i: (0, 0)),
        ],
        out_specs=pl.BlockSpec((_C1, 2 * H), lambda i: (i, 0)),
        out_shape=jax.ShapeDtypeStruct((V, 2 * H), jnp.float32),
    )(table_t, W, b2)



_NC = 2
_NS = 16
_NW = _NC * _NS


def _make_gather(L, B, H):
    N = B * L
    bw = B // _NW
    npair = L // 2
    cw = 2 * bw

    mesh = plsc.VectorSubcoreMesh(core_axis_name="c", subcore_axis_name="s")

    @functools.partial(
        pl.kernel,
        mesh=mesh,
        out_type=jax.ShapeDtypeStruct((N // 2, 2, H), jnp.float32),
        compiler_params=pltpu.CompilerParams(use_tc_tiling_on_sc=False),
        scratch_types=[
            pltpu.VMEM((L, bw), jnp.int32),
            pltpu.VMEM((cw, H), jnp.float32),
            pltpu.SemaphoreType.DMA,
        ],
    )
    def gather_k(t2_hbm, seq2_hbm, out_hbm, idx2d, rows_v, sem):
        wid = lax.axis_index("s") * _NC + lax.axis_index("c")
        b0 = wid * bw
        pltpu.sync_copy(seq2_hbm.at[:, pl.ds(b0, bw)], idx2d)

        def body(lp, carry):
            cp1 = pltpu.async_copy(
                t2_hbm.at[idx2d.at[2 * lp]], rows_v.at[pl.ds(0, bw)], sem)
            cp2 = pltpu.async_copy(
                t2_hbm.at[idx2d.at[2 * lp + 1]], rows_v.at[pl.ds(bw, bw)], sem)
            k0 = lp * B + wid * bw
            cp1.wait()
            pltpu.sync_copy(
                rows_v.at[pl.ds(0, bw)], out_hbm.at[pl.ds(k0, bw), 0])
            cp2.wait()
            pltpu.sync_copy(
                rows_v.at[pl.ds(bw, bw)], out_hbm.at[pl.ds(k0, bw), 1])
            return carry

        lax.fori_loop(0, npair, body, 0)

    return gather_k



def _xpose_body(g_ref, o_ref):
    x = g_ref[0]
    o_ref[0] = x[:, 0:64].T
    o_ref[1] = x[:, 64:128].T


def _xpose_body_acc(big_ref, g_ref, o_ref):
    del big_ref
    _xpose_body(g_ref, o_ref)


def _transpose_slab(g3, prev, s, Ls, L, B, H):
    base = s * Ls // 2
    out_spec = pl.BlockSpec((2, H, B), lambda i: (base + i, 0, 0))
    g_spec = pl.BlockSpec((1, B, 2 * H), lambda i: (i, 0, 0))
    out_shape = jax.ShapeDtypeStruct((L, H, B), jnp.float32)
    if prev is None:
        return pl.pallas_call(
            _xpose_body,
            grid=(Ls // 2,),
            in_specs=[g_spec],
            out_specs=out_spec,
            out_shape=out_shape,
        )(g3)
    return pl.pallas_call(
        _xpose_body_acc,
        grid=(Ls // 2,),
        in_specs=[pl.BlockSpec(memory_space=pl.ANY), g_spec],
        out_specs=out_spec,
        out_shape=out_shape,
        input_output_aliases={0: 0},
    )(prev, g3)



_S = 4


def kernel(seq, table, W, b):
    B, L = seq.shape
    V, H = table.shape
    t2d = _transform_table(table.T, W, b.reshape(1, H))
    t2v = t2d.reshape(2 * V, H)
    seq2_t = seq.T * 2
    Ls = L // _S
    gather = _make_gather(Ls, B, H)
    out_t = None
    for s in range(_S):
        g = gather(t2v, lax.slice_in_dim(seq2_t, s * Ls, (s + 1) * Ls))
        g3 = g.reshape(Ls // 2, B, 2 * H)
        out_t = _transpose_slab(g3, out_t, s, Ls, L, B, H)
    return out_t.transpose(2, 0, 1)

# --- scband reference (transcript-rebuilt; emitter-appended) ---
"""Pipeline reference for scband-contrastive-learning-model-72799695667320 (READ-ONLY COPY).

The authoritative reference and input builder live on the scoring server;
editing this copy changes nothing except your own understanding.
"""

import jax, jax.numpy as jnp
import numpy as np

VOCAB = 1000000
HIDDEN = 64
BATCH = 4096
HIST = 200

def setup_inputs(seed: int = 0) -> dict:
    key = jax.random.key(seed)
    k1, k2, k3, k4 = jax.random.split(key, 4)
    seq = jax.random.randint(k1, (BATCH, HIST), 0, VOCAB, dtype=jnp.int64 if jax.config.jax_enable_x64 else jnp.int32)
    table = jax.random.normal(k2, (VOCAB, HIDDEN), dtype=jnp.float32) * 0.02
    W = jax.random.normal(k3, (HIDDEN, HIDDEN), dtype=jnp.float32) * (1.0 / np.sqrt(HIDDEN))
    b = jax.random.normal(k4, (HIDDEN,), dtype=jnp.float32) * 0.01
    return {"seq": seq, "table": table, "W": W, "b": b}

def reference(seq, table, W, b):
    # nn.Embedding lookup -> gather rows of table
    seq_emb = jnp.take(table, seq, axis=0)          # [B, L, H]
    # nn.Linear: x @ W^T + b
    out = jnp.einsum('blh,oh->blo', seq_emb, W) + b  # [B, L, H]
    return out

if __name__ == "__main__":
    import jax
    _d = setup_inputs()
    print(jax.jit(kernel)(*tuple(_d.values())))

</pallas_src>

<mosaic_0001>
#map = affine_map<(d0, d1) -> (0, 0)>
#map1 = affine_map<(d0, d1) -> (0, 0, 0)>
module attributes {stable_mosaic.version = 14 : i64} {
  func.func @gather_k(%arg0: i32, %arg1: i32, %arg2: memref<2000000x64xf32, #tpu.memory_space<hbm>>, %arg3: memref<50x4096xi32, #tpu.memory_space<hbm>>, %arg4: memref<102400x2x64xf32, #tpu.memory_space<hbm>>, %arg5: memref<50x128xi32, #tpu.memory_space<vmem>>, %arg6: memref<256x64xf32, #tpu.memory_space<vmem>>, %arg7: memref<!tpu.dma_semaphore, #tpu.memory_space<semaphore_mem>>) attributes {dimension_semantics = [#tpu.dimension_semantics<core_parallel>, #tpu.dimension_semantics<subcore_parallel>], iteration_bounds = array<i64: 2, 16>, scalar_prefetch = 0 : i64, scratch_operands = 3 : i64, tpu.core_type = #tpu.core_type<sc_vector_subcore>, window_params = [{transform_indices = #map}, {transform_indices = #map}, {transform_indices = #map1}]} {
    %mul3A = arith.constant 2 : i32
    %mul3A_0 = arith.muli %arg1, %mul3A : i32
    %add3A = arith.addi %mul3A_0, %arg0 : i32
    %mul3A_1 = arith.constant 128 : i32
    %mul3A_2 = arith.muli %add3A, %mul3A_1 : i32
    "tpu.region"() ({
      %run_scoped3A = tpu.sem_alloc : memref<!tpu.dma_semaphore, #tpu.memory_space<semaphore_mem>>
      %dma_start3A = arith.constant 0 : i32
      %dma_start3A_8 = tpu.memref_slice %arg3[%dma_start3A, %mul3A_2] : memref<50x4096xi32, #tpu.memory_space<hbm>> -> memref<50x128xi32, #tpu.memory_space<hbm>>
      %dma_start3A_9 = arith.constant 0 : i32
      %dma_start3A_10 = tpu.memref_slice %arg3[%dma_start3A_9, %mul3A_2] : memref<50x4096xi32, #tpu.memory_space<hbm>> -> memref<50x128xi32, #tpu.memory_space<hbm>>
      tpu.enqueue_dma source(%dma_start3A_10 : memref<50x128xi32, #tpu.memory_space<hbm>>) target(%arg5 : memref<50x128xi32, #tpu.memory_space<vmem>>) target_semaphore(%run_scoped3A : memref<!tpu.dma_semaphore, #tpu.memory_space<semaphore_mem>>)
      %dma_wait3A = arith.constant 0 : i32
      %dma_wait3A_11 = tpu.memref_slice %arg3[%dma_wait3A, %mul3A_2] : memref<50x4096xi32, #tpu.memory_space<hbm>> -> memref<50x128xi32, #tpu.memory_space<hbm>>
      %dma_wait3A_12 = arith.constant 0 : i32
      %dma_wait3A_13 = tpu.memref_slice %arg3[%dma_wait3A_12, %mul3A_2] : memref<50x4096xi32, #tpu.memory_space<hbm>> -> memref<50x128xi32, #tpu.memory_space<hbm>>
      tpu.wait_dma2 semaphore(%run_scoped3A : memref<!tpu.dma_semaphore, #tpu.memory_space<semaphore_mem>>) src(%dma_wait3A_13 : memref<50x128xi32, #tpu.memory_space<hbm>>) dst(%arg5 : memref<50x128xi32, #tpu.memory_space<vmem>>)
      tpu.yield
    }) : () -> ()
    %scan3A = arith.constant 0 : i32
    %scan3A_3 = arith.constant 0 : i32
    %scan3A_4 = arith.constant 25 : i32
    %scan3A_5 = arith.addi %scan3A_3, %scan3A_4 : i32
    %scan3A_6 = arith.constant 1 : i32
    scf.for %scan3A_8 = %scan3A_3 to %scan3A_5 step %scan3A_6  : i32 {
      %mul3A_9 = arith.constant 2 : i32
      %mul3A_10 = arith.muli %mul3A_9, %scan3A_8 : i32
      %dma_start3A = arith.constant 0 : i32
      %dma_start3A_11 = arith.constant 0 : i32
      %dma_start3A_12 = tpu.memref_slice %arg6[%dma_start3A, %dma_start3A_11] : memref<256x64xf32, #tpu.memory_space<vmem>> -> memref<128x64xf32, #tpu.memory_space<vmem>>
      %dma_start3A_13 = arith.constant 0 : i32
      %dma_start3A_14 = tpu.memref_slice %arg5[%mul3A_10, %dma_start3A_13] : memref<50x128xi32, #tpu.memory_space<vmem>> -> memref<1x128xi32, #tpu.memory_space<vmem>>
      %dma_start3A_15 = tpu.memref_squeeze %dma_start3A_14 : memref<1x128xi32, #tpu.memory_space<vmem>> -> memref<128xi32, #tpu.memory_space<vmem>>
      %dma_start3A_16 = arith.constant 0 : i32
      %dma_start3A_17 = arith.constant 0 : i32
      %dma_start3A_18 = tpu.memref_slice %arg2[%dma_start3A_16, %dma_start3A_17] : memref<2000000x64xf32, #tpu.memory_space<hbm>> -> memref<2000000x64xf32, #tpu.memory_space<hbm>>
      tpu.enqueue_indirect_dma source(%dma_start3A_18 : memref<2000000x64xf32, #tpu.memory_space<hbm>>) target(%dma_start3A_12 : memref<128x64xf32, #tpu.memory_space<vmem>>) offsets(%dma_start3A_15 : memref<128xi32, #tpu.memory_space<vmem>>) semaphore(%arg7 : memref<!tpu.dma_semaphore, #tpu.memory_space<semaphore_mem>>)
      %mul3A_19 = arith.constant 2 : i32
      %mul3A_20 = arith.muli %mul3A_19, %scan3A_8 : i32
      %add3A_21 = arith.constant 1 : i32
      %add3A_22 = arith.addi %mul3A_20, %add3A_21 : i32
      %dma_start3A_23 = arith.constant 128 : i32
      %dma_start3A_24 = arith.constant 0 : i32
      %dma_start3A_25 = tpu.memref_slice %arg6[%dma_start3A_23, %dma_start3A_24] : memref<256x64xf32, #tpu.memory_space<vmem>> -> memref<128x64xf32, #tpu.memory_space<vmem>>
      %dma_start3A_26 = arith.constant 0 : i32
      %dma_start3A_27 = tpu.memref_slice %arg5[%add3A_22, %dma_start3A_26] : memref<50x128xi32, #tpu.memory_space<vmem>> -> memref<1x128xi32, #tpu.memory_space<vmem>>
      %dma_start3A_28 = tpu.memref_squeeze %dma_start3A_27 : memref<1x128xi32, #tpu.memory_space<vmem>> -> memref<128xi32, #tpu.memory_space<vmem>>
      %dma_start3A_29 = arith.constant 0 : i32
      %dma_start3A_30 = arith.constant 0 : i32
      %dma_start3A_31 = tpu.memref_slice %arg2[%dma_start3A_29, %dma_start3A_30] : memref<2000000x64xf32, #tpu.memory_space<hbm>> -> memref<2000000x64xf32, #tpu.memory_space<hbm>>
      tpu.enqueue_indirect_dma source(%dma_start3A_31 : memref<2000000x64xf32, #tpu.memory_space<hbm>>) target(%dma_start3A_25 : memref<128x64xf32, #tpu.memory_space<vmem>>) offsets(%dma_start3A_28 : memref<128xi32, #tpu.memory_space<vmem>>) semaphore(%arg7 : memref<!tpu.dma_semaphore, #tpu.memory_space<semaphore_mem>>)
      %mul3A_32 = arith.constant 4096 : i32
      %mul3A_33 = arith.muli %scan3A_8, %mul3A_32 : i32
      %mul3A_34 = arith.constant 128 : i32
      %mul3A_35 = arith.muli %add3A, %mul3A_34 : i32
      %add3A_36 = arith.addi %mul3A_33, %mul3A_35 : i32
      %dma_wait3A = arith.constant 0 : i32
      %dma_wait3A_37 = arith.constant 0 : i32
      %dma_wait3A_38 = tpu.memref_slice %arg6[%dma_wait3A, %dma_wait3A_37] : memref<256x64xf32, #tpu.memory_space<vmem>> -> memref<128x64xf32, #tpu.memory_space<vmem>>
      %dma_wait3A_39 = arith.constant 0 : i32
      %dma_wait3A_40 = tpu.memref_slice %arg5[%mul3A_10, %dma_wait3A_39] : memref<50x128xi32, #tpu.memory_space<vmem>> -> memref<1x128xi32, #tpu.memory_space<vmem>>
      %dma_wait3A_41 = tpu.memref_squeeze %dma_wait3A_40 : memref<1x128xi32, #tpu.memory_space<vmem>> -> memref<128xi32, #tpu.memory_space<vmem>>
      %dma_wait3A_42 = arith.constant 0 : i32
      %dma_wait3A_43 = arith.constant 0 : i32
      %dma_wait3A_44 = tpu.memref_slice %arg2[%dma_wait3A_42, %dma_wait3A_43] : memref<2000000x64xf32, #tpu.memory_space<hbm>> -> memref<2000000x64xf32, #tpu.memory_space<hbm>>
      tpu.wait_indirect_dma semaphore(%arg7 : memref<!tpu.dma_semaphore, #tpu.memory_space<semaphore_mem>>) src(%dma_wait3A_44 : memref<2000000x64xf32, #tpu.memory_space<hbm>>) dst(%dma_wait3A_38 : memref<128x64xf32, #tpu.memory_space<vmem>>)
      %run_scoped3A = arith.constant 0 : i32
      "tpu.region"() ({
        %run_scoped3A_55 = tpu.sem_alloc : memref<!tpu.dma_semaphore, #tpu.memory_space<semaphore_mem>>
        %dma_start3A_56 = arith.constant 0 : i32
        %dma_start3A_57 = arith.constant 0 : i32
        %dma_start3A_58 = tpu.memref_slice %arg6[%dma_start3A_56, %dma_start3A_57] : memref<256x64xf32, #tpu.memory_space<vmem>> -> memref<128x64xf32, #tpu.memory_space<vmem>>
        %dma_start3A_59 = arith.constant 0 : i32
        %dma_start3A_60 = tpu.memref_slice %arg4[%add3A_36, %run_scoped3A, %dma_start3A_59] : memref<102400x2x64xf32, #tpu.memory_space<hbm>> -> memref<128x1x64xf32, #tpu.memory_space<hbm>>
        %dma_start3A_61 = tpu.memref_squeeze %dma_start3A_60 : memref<128x1x64xf32, #tpu.memory_space<hbm>> -> memref<128x64xf32, #tpu.memory_space<hbm>>
        %dma_start3A_62 = arith.constant 0 : i32
        %dma_start3A_63 = tpu.memref_slice %arg4[%add3A_36, %run_scoped3A, %dma_start3A_62] : memref<102400x2x64xf32, #tpu.memory_space<hbm>> -> memref<128x1x64xf32, #tpu.memory_space<hbm>>
        %dma_start3A_64 = tpu.memref_squeeze %dma_start3A_63 : memref<128x1x64xf32, #tpu.memory_space<hbm>> -> memref<128x64xf32, #tpu.memory_space<hbm>>
        %dma_start3A_65 = arith.constant 0 : i32
        %dma_start3A_66 = arith.constant 0 : i32
        %dma_start3A_67 = tpu.memref_slice %arg6[%dma_start3A_65, %dma_start3A_66] : memref<256x64xf32, #tpu.memory_space<vmem>> -> memref<128x64xf32, #tpu.memory_space<vmem>>
        tpu.enqueue_dma source(%dma_start3A_67 : memref<128x64xf32, #tpu.memory_space<vmem>>) target(%dma_start3A_64 : memref<128x64xf32, #tpu.memory_space<hbm>>) target_semaphore(%run_scoped3A_55 : memref<!tpu.dma_semaphore, #tpu.memory_space<semaphore_mem>>)
        %dma_wait3A_68 = arith.constant 0 : i32
        %dma_wait3A_69 = arith.constant 0 : i32
        %dma_wait3A_70 = tpu.memref_slice %arg6[%dma_wait3A_68, %dma_wait3A_69] : memref<256x64xf32, #tpu.memory_space<vmem>> -> memref<128x64xf32, #tpu.memory_space<vmem>>
        %dma_wait3A_71 = arith.constant 0 : i32
        %dma_wait3A_72 = tpu.memref_slice %arg4[%add3A_36, %run_scoped3A, %dma_wait3A_71] : memref<102400x2x64xf32, #tpu.memory_space<hbm>> -> memref<128x1x64xf32, #tpu.memory_space<hbm>>
        %dma_wait3A_73 = tpu.memref_squeeze %dma_wait3A_72 : memref<128x1x64xf32, #tpu.memory_space<hbm>> -> memref<128x64xf32, #tpu.memory_space<hbm>>
        %dma_wait3A_74 = arith.constant 0 : i32
        %dma_wait3A_75 = tpu.memref_slice %arg4[%add3A_36, %run_scoped3A, %dma_wait3A_74] : memref<102400x2x64xf32, #tpu.memory_space<hbm>> -> memref<128x1x64xf32, #tpu.memory_space<hbm>>
        %dma_wait3A_76 = tpu.memref_squeeze %dma_wait3A_75 : memref<128x1x64xf32, #tpu.memory_space<hbm>> -> memref<128x64xf32, #tpu.memory_space<hbm>>
        %dma_wait3A_77 = arith.constant 0 : i32
        %dma_wait3A_78 = arith.constant 0 : i32
        %dma_wait3A_79 = tpu.memref_slice %arg6[%dma_wait3A_77, %dma_wait3A_78] : memref<256x64xf32, #tpu.memory_space<vmem>> -> memref<128x64xf32, #tpu.memory_space<vmem>>
        tpu.wait_dma2 semaphore(%run_scoped3A_55 : memref<!tpu.dma_semaphore, #tpu.memory_space<semaphore_mem>>) src(%dma_wait3A_79 : memref<128x64xf32, #tpu.memory_space<vmem>>) dst(%dma_wait3A_76 : memref<128x64xf32, #tpu.memory_space<hbm>>)
        tpu.yield
      }) : () -> ()
      %dma_wait3A_45 = arith.constant 128 : i32
      %dma_wait3A_46 = arith.constant 0 : i32
      %dma_wait3A_47 = tpu.memref_slice %arg6[%dma_wait3A_45, %dma_wait3A_46] : memref<256x64xf32, #tpu.memory_space<vmem>> -> memref<128x64xf32, #tpu.memory_space<vmem>>
      %dma_wait3A_48 = arith.constant 0 : i32
      %dma_wait3A_49 = tpu.memref_slice %arg5[%add3A_22, %dma_wait3A_48] : memref<50x128xi32, #tpu.memory_space<vmem>> -> memref<1x128xi32, #tpu.memory_space<vmem>>
      %dma_wait3A_50 = tpu.memref_squeeze %dma_wait3A_49 : memref<1x128xi32, #tpu.memory_space<vmem>> -> memref<128xi32, #tpu.memory_space<vmem>>
      %dma_wait3A_51 = arith.constant 0 : i32
      %dma_wait3A_52 = arith.constant 0 : i32
      %dma_wait3A_53 = tpu.memref_slice %arg2[%dma_wait3A_51, %dma_wait3A_52] : memref<2000000x64xf32, #tpu.memory_space<hbm>> -> memref<2000000x64xf32, #tpu.memory_space<hbm>>
      tpu.wait_indirect_dma semaphore(%arg7 : memref<!tpu.dma_semaphore, #tpu.memory_space<semaphore_mem>>) src(%dma_wait3A_53 : memref<2000000x64xf32, #tpu.memory_space<hbm>>) dst(%dma_wait3A_47 : memref<128x64xf32, #tpu.memory_space<vmem>>)
      %run_scoped3A_54 = arith.constant 1 : i32
      "tpu.region"() ({
        %run_scoped3A_55 = tpu.sem_alloc : memref<!tpu.dma_semaphore, #tpu.memory_space<semaphore_mem>>
        %dma_start3A_56 = arith.constant 128 : i32
        %dma_start3A_57 = arith.constant 0 : i32
        %dma_start3A_58 = tpu.memref_slice %arg6[%dma_start3A_56, %dma_start3A_57] : memref<256x64xf32, #tpu.memory_space<vmem>> -> memref<128x64xf32, #tpu.memory_space<vmem>>
        %dma_start3A_59 = arith.constant 0 : i32
        %dma_start3A_60 = tpu.memref_slice %arg4[%add3A_36, %run_scoped3A_54, %dma_start3A_59] : memref<102400x2x64xf32, #tpu.memory_space<hbm>> -> memref<128x1x64xf32, #tpu.memory_space<hbm>>
        %dma_start3A_61 = tpu.memref_squeeze %dma_start3A_60 : memref<128x1x64xf32, #tpu.memory_space<hbm>> -> memref<128x64xf32, #tpu.memory_space<hbm>>
        %dma_start3A_62 = arith.constant 0 : i32
        %dma_start3A_63 = tpu.memref_slice %arg4[%add3A_36, %run_scoped3A_54, %dma_start3A_62] : memref<102400x2x64xf32, #tpu.memory_space<hbm>> -> memref<128x1x64xf32, #tpu.memory_space<hbm>>
        %dma_start3A_64 = tpu.memref_squeeze %dma_start3A_63 : memref<128x1x64xf32, #tpu.memory_space<hbm>> -> memref<128x64xf32, #tpu.memory_space<hbm>>
        %dma_start3A_65 = arith.constant 128 : i32
        %dma_start3A_66 = arith.constant 0 : i32
        %dma_start3A_67 = tpu.memref_slice %arg6[%dma_start3A_65, %dma_start3A_66] : memref<256x64xf32, #tpu.memory_space<vmem>> -> memref<128x64xf32, #tpu.memory_space<vmem>>
        tpu.enqueue_dma source(%dma_start3A_67 : memref<128x64xf32, #tpu.memory_space<vmem>>) target(%dma_start3A_64 : memref<128x64xf32, #tpu.memory_space<hbm>>) target_semaphore(%run_scoped3A_55 : memref<!tpu.dma_semaphore, #tpu.memory_space<semaphore_mem>>)
        %dma_wait3A_68 = arith.constant 128 : i32
        %dma_wait3A_69 = arith.constant 0 : i32
        %dma_wait3A_70 = tpu.memref_slice %arg6[%dma_wait3A_68, %dma_wait3A_69] : memref<256x64xf32, #tpu.memory_space<vmem>> -> memref<128x64xf32, #tpu.memory_space<vmem>>
        %dma_wait3A_71 = arith.constant 0 : i32
        %dma_wait3A_72 = tpu.memref_slice %arg4[%add3A_36, %run_scoped3A_54, %dma_wait3A_71] : memref<102400x2x64xf32, #tpu.memory_space<hbm>> -> memref<128x1x64xf32, #tpu.memory_space<hbm>>
        %dma_wait3A_73 = tpu.memref_squeeze %dma_wait3A_72 : memref<128x1x64xf32, #tpu.memory_space<hbm>> -> memref<128x64xf32, #tpu.memory_space<hbm>>
        %dma_wait3A_74 = arith.constant 0 : i32
        %dma_wait3A_75 = tpu.memref_slice %arg4[%add3A_36, %run_scoped3A_54, %dma_wait3A_74] : memref<102400x2x64xf32, #tpu.memory_space<hbm>> -> memref<128x1x64xf32, #tpu.memory_space<hbm>>
        %dma_wait3A_76 = tpu.memref_squeeze %dma_wait3A_75 : memref<128x1x64xf32, #tpu.memory_space<hbm>> -> memref<128x64xf32, #tpu.memory_space<hbm>>
        %dma_wait3A_77 = arith.constant 128 : i32
        %dma_wait3A_78 = arith.constant 0 : i32
        %dma_wait3A_79 = tpu.memref_slice %arg6[%dma_wait3A_77, %dma_wait3A_78] : memref<256x64xf32, #tpu.memory_space<vmem>> -> memref<128x64xf32, #tpu.memory_space<vmem>>
        tpu.wait_dma2 semaphore(%run_scoped3A_55 : memref<!tpu.dma_semaphore, #tpu.memory_space<semaphore_mem>>) src(%dma_wait3A_79 : memref<128x64xf32, #tpu.memory_space<vmem>>) dst(%dma_wait3A_76 : memref<128x64xf32, #tpu.memory_space<hbm>>)
        tpu.yield
      }) : () -> ()
    }
    %scan3A_7 = arith.constant 25 : i32
    return
  }
}

#map = affine_map<(d0, d1) -> (0, 0)>
#map1 = affine_map<(d0, d1) -> (0, 0, 0)>
module attributes {stable_mosaic.version = 14 : i64} {
  func.func @gather_k(%arg0: i32, %arg1: i32, %arg2: memref<2000000x64xf32, #tpu.memory_space<hbm>>, %arg3: memref<50x4096xi32, #tpu.memory_space<hbm>>, %arg4: memref<102400x2x64xf32, #tpu.memory_space<hbm>>, %arg5: memref<50x128xi32, #tpu.memory_space<vmem>>, %arg6: memref<256x64xf32, #tpu.memory_space<vmem>>, %arg7: memref<!tpu.dma_semaphore, #tpu.memory_space<semaphore_mem>>) attributes {dimension_semantics = [#tpu.dimension_semantics<core_parallel>, #tpu.dimension_semantics<subcore_parallel>], iteration_bounds = array<i64: 2, 16>, scalar_prefetch = 0 : i64, scratch_operands = 3 : i64, tpu.core_type = #tpu.core_type<sc_vector_subcore>, window_params = [{transform_indices = #map}, {transform_indices = #map}, {transform_indices = #map1}]} {
    %mul3A = arith.constant 2 : i32
    %mul3A_0 = arith.muli %arg1, %mul3A : i32
    %add3A = arith.addi %mul3A_0, %arg0 : i32
    %mul3A_1 = arith.constant 128 : i32
    %mul3A_2 = arith.muli %add3A, %mul3A_1 : i32
    "tpu.region"() ({
      %run_scoped3A = tpu.sem_alloc : memref<!tpu.dma_semaphore, #tpu.memory_space<semaphore_mem>>
      %dma_start3A = arith.constant 0 : i32
      %dma_start3A_8 = tpu.memref_slice %arg3[%dma_start3A, %mul3A_2] : memref<50x4096xi32, #tpu.memory_space<hbm>> -> memref<50x128xi32, #tpu.memory_space<hbm>>
      %dma_start3A_9 = arith.constant 0 : i32
      %dma_start3A_10 = tpu.memref_slice %arg3[%dma_start3A_9, %mul3A_2] : memref<50x4096xi32, #tpu.memory_space<hbm>> -> memref<50x128xi32, #tpu.memory_space<hbm>>
      tpu.enqueue_dma source(%dma_start3A_10 : memref<50x128xi32, #tpu.memory_space<hbm>>) target(%arg5 : memref<50x128xi32, #tpu.memory_space<vmem>>) target_semaphore(%run_scoped3A : memref<!tpu.dma_semaphore, #tpu.memory_space<semaphore_mem>>)
      %dma_wait3A = arith.constant 0 : i32
      %dma_wait3A_11 = tpu.memref_slice %arg3[%dma_wait3A, %mul3A_2] : memref<50x4096xi32, #tpu.memory_space<hbm>> -> memref<50x128xi32, #tpu.memory_space<hbm>>
      %dma_wait3A_12 = arith.constant 0 : i32
      %dma_wait3A_13 = tpu.memref_slice %arg3[%dma_wait3A_12, %mul3A_2] : memref<50x4096xi32, #tpu.memory_space<hbm>> -> memref<50x128xi32, #tpu.memory_space<hbm>>
      tpu.wait_dma2 semaphore(%run_scoped3A : memref<!tpu.dma_semaphore, #tpu.memory_space<semaphore_mem>>) src(%dma_wait3A_13 : memref<50x128xi32, #tpu.memory_space<hbm>>) dst(%arg5 : memref<50x128xi32, #tpu.memory_space<vmem>>)
      tpu.yield
    }) : () -> ()
    %scan3A = arith.constant 0 : i32
    %scan3A_3 = arith.constant 0 : i32
    %scan3A_4 = arith.constant 25 : i32
    %scan3A_5 = arith.addi %scan3A_3, %scan3A_4 : i32
    %scan3A_6 = arith.constant 1 : i32
    scf.for %scan3A_8 = %scan3A_3 to %scan3A_5 step %scan3A_6  : i32 {
      %mul3A_9 = arith.constant 2 : i32
      %mul3A_10 = arith.muli %mul3A_9, %scan3A_8 : i32
      %dma_start3A = arith.constant 0 : i32
      %dma_start3A_11 = arith.constant 0 : i32
      %dma_start3A_12 = tpu.memref_slice %arg6[%dma_start3A, %dma_start3A_11] : memref<256x64xf32, #tpu.memory_space<vmem>> -> memref<128x64xf32, #tpu.memory_space<vmem>>
      %dma_start3A_13 = arith.constant 0 : i32
      %dma_start3A_14 = tpu.memref_slice %arg5[%mul3A_10, %dma_start3A_13] : memref<50x128xi32, #tpu.memory_space<vmem>> -> memref<1x128xi32, #tpu.memory_space<vmem>>
      %dma_start3A_15 = tpu.memref_squeeze %dma_start3A_14 : memref<1x128xi32, #tpu.memory_space<vmem>> -> memref<128xi32, #tpu.memory_space<vmem>>
      %dma_start3A_16 = arith.constant 0 : i32
      %dma_start3A_17 = arith.constant 0 : i32
      %dma_start3A_18 = tpu.memref_slice %arg2[%dma_start3A_16, %dma_start3A_17] : memref<2000000x64xf32, #tpu.memory_space<hbm>> -> memref<2000000x64xf32, #tpu.memory_space<hbm>>
      tpu.enqueue_indirect_dma source(%dma_start3A_18 : memref<2000000x64xf32, #tpu.memory_space<hbm>>) target(%dma_start3A_12 : memref<128x64xf32, #tpu.memory_space<vmem>>) offsets(%dma_start3A_15 : memref<128xi32, #tpu.memory_space<vmem>>) semaphore(%arg7 : memref<!tpu.dma_semaphore, #tpu.memory_space<semaphore_mem>>)
      %mul3A_19 = arith.constant 2 : i32
      %mul3A_20 = arith.muli %mul3A_19, %scan3A_8 : i32
      %add3A_21 = arith.constant 1 : i32
      %add3A_22 = arith.addi %mul3A_20, %add3A_21 : i32
      %dma_start3A_23 = arith.constant 128 : i32
      %dma_start3A_24 = arith.constant 0 : i32
      %dma_start3A_25 = tpu.memref_slice %arg6[%dma_start3A_23, %dma_start3A_24] : memref<256x64xf32, #tpu.memory_space<vmem>> -> memref<128x64xf32, #tpu.memory_space<vmem>>
      %dma_start3A_26 = arith.constant 0 : i32
      %dma_start3A_27 = tpu.memref_slice %arg5[%add3A_22, %dma_start3A_26] : memref<50x128xi32, #tpu.memory_space<vmem>> -> memref<1x128xi32, #tpu.memory_space<vmem>>
      %dma_start3A_28 = tpu.memref_squeeze %dma_start3A_27 : memref<1x128xi32, #tpu.memory_space<vmem>> -> memref<128xi32, #tpu.memory_space<vmem>>
      %dma_start3A_29 = arith.constant 0 : i32
      %dma_start3A_30 = arith.constant 0 : i32
      %dma_start3A_31 = tpu.memref_slice %arg2[%dma_start3A_29, %dma_start3A_30] : memref<2000000x64xf32, #tpu.memory_space<hbm>> -> memref<2000000x64xf32, #tpu.memory_space<hbm>>
      tpu.enqueue_indirect_dma source(%dma_start3A_31 : memref<2000000x64xf32, #tpu.memory_space<hbm>>) target(%dma_start3A_25 : memref<128x64xf32, #tpu.memory_space<vmem>>) offsets(%dma_start3A_28 : memref<128xi32, #tpu.memory_space<vmem>>) semaphore(%arg7 : memref<!tpu.dma_semaphore, #tpu.memory_space<semaphore_mem>>)
      %mul3A_32 = arith.constant 4096 : i32
      %mul3A_33 = arith.muli %scan3A_8, %mul3A_32 : i32
      %mul3A_34 = arith.constant 128 : i32
      %mul3A_35 = arith.muli %add3A, %mul3A_34 : i32
      %add3A_36 = arith.addi %mul3A_33, %mul3A_35 : i32
      %dma_wait3A = arith.constant 0 : i32
      %dma_wait3A_37 = arith.constant 0 : i32
      %dma_wait3A_38 = tpu.memref_slice %arg6[%dma_wait3A, %dma_wait3A_37] : memref<256x64xf32, #tpu.memory_space<vmem>> -> memref<128x64xf32, #tpu.memory_space<vmem>>
      %dma_wait3A_39 = arith.constant 0 : i32
      %dma_wait3A_40 = tpu.memref_slice %arg5[%mul3A_10, %dma_wait3A_39] : memref<50x128xi32, #tpu.memory_space<vmem>> -> memref<1x128xi32, #tpu.memory_space<vmem>>
      %dma_wait3A_41 = tpu.memref_squeeze %dma_wait3A_40 : memref<1x128xi32, #tpu.memory_space<vmem>> -> memref<128xi32, #tpu.memory_space<vmem>>
      %dma_wait3A_42 = arith.constant 0 : i32
      %dma_wait3A_43 = arith.constant 0 : i32
      %dma_wait3A_44 = tpu.memref_slice %arg2[%dma_wait3A_42, %dma_wait3A_43] : memref<2000000x64xf32, #tpu.memory_space<hbm>> -> memref<2000000x64xf32, #tpu.memory_space<hbm>>
      tpu.wait_indirect_dma semaphore(%arg7 : memref<!tpu.dma_semaphore, #tpu.memory_space<semaphore_mem>>) src(%dma_wait3A_44 : memref<2000000x64xf32, #tpu.memory_space<hbm>>) dst(%dma_wait3A_38 : memref<128x64xf32, #tpu.memory_space<vmem>>)
      %run_scoped3A = arith.constant 0 : i32
      "tpu.region"() ({
        %run_scoped3A_55 = tpu.sem_alloc : memref<!tpu.dma_semaphore, #tpu.memory_space<semaphore_mem>>
        %dma_start3A_56 = arith.constant 0 : i32
        %dma_start3A_57 = arith.constant 0 : i32
        %dma_start3A_58 = tpu.memref_slice %arg6[%dma_start3A_56, %dma_start3A_57] : memref<256x64xf32, #tpu.memory_space<vmem>> -> memref<128x64xf32, #tpu.memory_space<vmem>>
        %dma_start3A_59 = arith.constant 0 : i32
        %dma_start3A_60 = tpu.memref_slice %arg4[%add3A_36, %run_scoped3A, %dma_start3A_59] : memref<102400x2x64xf32, #tpu.memory_space<hbm>> -> memref<128x1x64xf32, #tpu.memory_space<hbm>>
        %dma_start3A_61 = tpu.memref_squeeze %dma_start3A_60 : memref<128x1x64xf32, #tpu.memory_space<hbm>> -> memref<128x64xf32, #tpu.memory_space<hbm>>
        %dma_start3A_62 = arith.constant 0 : i32
        %dma_start3A_63 = tpu.memref_slice %arg4[%add3A_36, %run_scoped3A, %dma_start3A_62] : memref<102400x2x64xf32, #tpu.memory_space<hbm>> -> memref<128x1x64xf32, #tpu.memory_space<hbm>>
        %dma_start3A_64 = tpu.memref_squeeze %dma_start3A_63 : memref<128x1x64xf32, #tpu.memory_space<hbm>> -> memref<128x64xf32, #tpu.memory_space<hbm>>
        %dma_start3A_65 = arith.constant 0 : i32
        %dma_start3A_66 = arith.constant 0 : i32
        %dma_start3A_67 = tpu.memref_slice %arg6[%dma_start3A_65, %dma_start3A_66] : memref<256x64xf32, #tpu.memory_space<vmem>> -> memref<128x64xf32, #tpu.memory_space<vmem>>
        tpu.enqueue_dma source(%dma_start3A_67 : memref<128x64xf32, #tpu.memory_space<vmem>>) target(%dma_start3A_64 : memref<128x64xf32, #tpu.memory_space<hbm>>) target_semaphore(%run_scoped3A_55 : memref<!tpu.dma_semaphore, #tpu.memory_space<semaphore_mem>>)
        %dma_wait3A_68 = arith.constant 0 : i32
        %dma_wait3A_69 = arith.constant 0 : i32
        %dma_wait3A_70 = tpu.memref_slice %arg6[%dma_wait3A_68, %dma_wait3A_69] : memref<256x64xf32, #tpu.memory_space<vmem>> -> memref<128x64xf32, #tpu.memory_space<vmem>>
        %dma_wait3A_71 = arith.constant 0 : i32
        %dma_wait3A_72 = tpu.memref_slice %arg4[%add3A_36, %run_scoped3A, %dma_wait3A_71] : memref<102400x2x64xf32, #tpu.memory_space<hbm>> -> memref<128x1x64xf32, #tpu.memory_space<hbm>>
        %dma_wait3A_73 = tpu.memref_squeeze %dma_wait3A_72 : memref<128x1x64xf32, #tpu.memory_space<hbm>> -> memref<128x64xf32, #tpu.memory_space<hbm>>
        %dma_wait3A_74 = arith.constant 0 : i32
        %dma_wait3A_75 = tpu.memref_slice %arg4[%add3A_36, %run_scoped3A, %dma_wait3A_74] : memref<102400x2x64xf32, #tpu.memory_space<hbm>> -> memref<128x1x64xf32, #tpu.memory_space<hbm>>
        %dma_wait3A_76 = tpu.memref_squeeze %dma_wait3A_75 : memref<128x1x64xf32, #tpu.memory_space<hbm>> -> memref<128x64xf32, #tpu.memory_space<hbm>>
        %dma_wait3A_77 = arith.constant 0 : i32
        %dma_wait3A_78 = arith.constant 0 : i32
        %dma_wait3A_79 = tpu.memref_slice %arg6[%dma_wait3A_77, %dma_wait3A_78] : memref<256x64xf32, #tpu.memory_space<vmem>> -> memref<128x64xf32, #tpu.memory_space<vmem>>
        tpu.wait_dma2 semaphore(%run_scoped3A_55 : memref<!tpu.dma_semaphore, #tpu.memory_space<semaphore_mem>>) src(%dma_wait3A_79 : memref<128x64xf32, #tpu.memory_space<vmem>>) dst(%dma_wait3A_76 : memref<128x64xf32, #tpu.memory_space<hbm>>)
        tpu.yield
      }) : () -> ()
      %dma_wait3A_45 = arith.constant 128 : i32
      %dma_wait3A_46 = arith.constant 0 : i32
      %dma_wait3A_47 = tpu.memref_slice %arg6[%dma_wait3A_45, %dma_wait3A_46] : memref<256x64xf32, #tpu.memory_space<vmem>> -> memref<128x64xf32, #tpu.memory_space<vmem>>
      %dma_wait3A_48 = arith.constant 0 : i32
      %dma_wait3A_49 = tpu.memref_slice %arg5[%add3A_22, %dma_wait3A_48] : memref<50x128xi32, #tpu.memory_space<vmem>> -> memref<1x128xi32, #tpu.memory_space<vmem>>
      %dma_wait3A_50 = tpu.memref_squeeze %dma_wait3A_49 : memref<1x128xi32, #tpu.memory_space<vmem>> -> memref<128xi32, #tpu.memory_space<vmem>>
      %dma_wait3A_51 = arith.constant 0 : i32
      %dma_wait3A_52 = arith.constant 0 : i32
      %dma_wait3A_53 = tpu.memref_slice %arg2[%dma_wait3A_51, %dma_wait3A_52] : memref<2000000x64xf32, #tpu.memory_space<hbm>> -> memref<2000000x64xf32, #tpu.memory_space<hbm>>
      tpu.wait_indirect_dma semaphore(%arg7 : memref<!tpu.dma_semaphore, #tpu.memory_space<semaphore_mem>>) src(%dma_wait3A_53 : memref<2000000x64xf32, #tpu.memory_space<hbm>>) dst(%dma_wait3A_47 : memref<128x64xf32, #tpu.memory_space<vmem>>)
      %run_scoped3A_54 = arith.constant 1 : i32
      "tpu.region"() ({
        %run_scoped3A_55 = tpu.sem_alloc : memref<!tpu.dma_semaphore, #tpu.memory_space<semaphore_mem>>
        %dma_start3A_56 = arith.constant 128 : i32
        %dma_start3A_57 = arith.constant 0 : i32
        %dma_start3A_58 = tpu.memref_slice %arg6[%dma_start3A_56, %dma_start3A_57] : memref<256x64xf32, #tpu.memory_space<vmem>> -> memref<128x64xf32, #tpu.memory_space<vmem>>
        %dma_start3A_59 = arith.constant 0 : i32
        %dma_start3A_60 = tpu.memref_slice %arg4[%add3A_36, %run_scoped3A_54, %dma_start3A_59] : memref<102400x2x64xf32, #tpu.memory_space<hbm>> -> memref<128x1x64xf32, #tpu.memory_space<hbm>>
        %dma_start3A_61 = tpu.memref_squeeze %dma_start3A_60 : memref<128x1x64xf32, #tpu.memory_space<hbm>> -> memref<128x64xf32, #tpu.memory_space<hbm>>
        %dma_start3A_62 = arith.constant 0 : i32
        %dma_start3A_63 = tpu.memref_slice %arg4[%add3A_36, %run_scoped3A_54, %dma_start3A_62] : memref<102400x2x64xf32, #tpu.memory_space<hbm>> -> memref<128x1x64xf32, #tpu.memory_space<hbm>>
        %dma_start3A_64 = tpu.memref_squeeze %dma_start3A_63 : memref<128x1x64xf32, #tpu.memory_space<hbm>> -> memref<128x64xf32, #tpu.memory_space<hbm>>
        %dma_start3A_65 = arith.constant 128 : i32
        %dma_start3A_66 = arith.constant 0 : i32
        %dma_start3A_67 = tpu.memref_slice %arg6[%dma_start3A_65, %dma_start3A_66] : memref<256x64xf32, #tpu.memory_space<vmem>> -> memref<128x64xf32, #tpu.memory_space<vmem>>
        tpu.enqueue_dma source(%dma_start3A_67 : memref<128x64xf32, #tpu.memory_space<vmem>>) target(%dma_start3A_64 : memref<128x64xf32, #tpu.memory_space<hbm>>) target_semaphore(%run_scoped3A_55 : memref<!tpu.dma_semaphore, #tpu.memory_space<semaphore_mem>>)
        %dma_wait3A_68 = arith.constant 128 : i32
        %dma_wait3A_69 = arith.constant 0 : i32
        %dma_wait3A_70 = tpu.memref_slice %arg6[%dma_wait3A_68, %dma_wait3A_69] : memref<256x64xf32, #tpu.memory_space<vmem>> -> memref<128x64xf32, #tpu.memory_space<vmem>>
        %dma_wait3A_71 = arith.constant 0 : i32
        %dma_wait3A_72 = tpu.memref_slice %arg4[%add3A_36, %run_scoped3A_54, %dma_wait3A_71] : memref<102400x2x64xf32, #tpu.memory_space<hbm>> -> memref<128x1x64xf32, #tpu.memory_space<hbm>>
        %dma_wait3A_73 = tpu.memref_squeeze %dma_wait3A_72 : memref<128x1x64xf32, #tpu.memory_space<hbm>> -> memref<128x64xf32, #tpu.memory_space<hbm>>
        %dma_wait3A_74 = arith.constant 0 : i32
        %dma_wait3A_75 = tpu.memref_slice %arg4[%add3A_36, %run_scoped3A_54, %dma_wait3A_74] : memref<102400x2x64xf32, #tpu.memory_space<hbm>> -> memref<128x1x64xf32, #tpu.memory_space<hbm>>
        %dma_wait3A_76 = tpu.memref_squeeze %dma_wait3A_75 : memref<128x1x64xf32, #tpu.memory_space<hbm>> -> memref<128x64xf32, #tpu.memory_space<hbm>>
        %dma_wait3A_77 = arith.constant 128 : i32
        %dma_wait3A_78 = arith.constant 0 : i32
        %dma_wait3A_79 = tpu.memref_slice %arg6[%dma_wait3A_77, %dma_wait3A_78] : memref<256x64xf32, #tpu.memory_space<vmem>> -> memref<128x64xf32, #tpu.memory_space<vmem>>
        tpu.wait_dma2 semaphore(%run_scoped3A_55 : memref<!tpu.dma_semaphore, #tpu.memory_space<semaphore_mem>>) src(%dma_wait3A_79 : memref<128x64xf32, #tpu.memory_space<vmem>>) dst(%dma_wait3A_76 : memref<128x64xf32, #tpu.memory_space<hbm>>)
        tpu.yield
      }) : () -> ()
    }
    %scan3A_7 = arith.constant 25 : i32
    return
  }
}

#map = affine_map<(d0, d1) -> (0, 0)>
#map1 = affine_map<(d0, d1) -> (0, 0, 0)>
module attributes {stable_mosaic.version = 14 : i64} {
  func.func @gather_k(%arg0: i32, %arg1: i32, %arg2: memref<2000000x64xf32, #tpu.memory_space<hbm>>, %arg3: memref<50x4096xi32, #tpu.memory_space<hbm>>, %arg4: memref<102400x2x64xf32, #tpu.memory_space<hbm>>, %arg5: memref<50x128xi32, #tpu.memory_space<vmem>>, %arg6: memref<256x64xf32, #tpu.memory_space<vmem>>, %arg7: memref<!tpu.dma_semaphore, #tpu.memory_space<semaphore_mem>>) attributes {dimension_semantics = [#tpu.dimension_semantics<core_parallel>, #tpu.dimension_semantics<subcore_parallel>], iteration_bounds = array<i64: 2, 16>, scalar_prefetch = 0 : i64, scratch_operands = 3 : i64, tpu.core_type = #tpu.core_type<sc_vector_subcore>, window_params = [{transform_indices = #map}, {transform_indices = #map}, {transform_indices = #map1}]} {
    %mul3A = arith.constant 2 : i32
    %mul3A_0 = arith.muli %arg1, %mul3A : i32
    %add3A = arith.addi %mul3A_0, %arg0 : i32
    %mul3A_1 = arith.constant 128 : i32
    %mul3A_2 = arith.muli %add3A, %mul3A_1 : i32
    "tpu.region"() ({
      %run_scoped3A = tpu.sem_alloc : memref<!tpu.dma_semaphore, #tpu.memory_space<semaphore_mem>>
      %dma_start3A = arith.constant 0 : i32
      %dma_start3A_8 = tpu.memref_slice %arg3[%dma_start3A, %mul3A_2] : memref<50x4096xi32, #tpu.memory_space<hbm>> -> memref<50x128xi32, #tpu.memory_space<hbm>>
      %dma_start3A_9 = arith.constant 0 : i32
      %dma_start3A_10 = tpu.memref_slice %arg3[%dma_start3A_9, %mul3A_2] : memref<50x4096xi32, #tpu.memory_space<hbm>> -> memref<50x128xi32, #tpu.memory_space<hbm>>
      tpu.enqueue_dma source(%dma_start3A_10 : memref<50x128xi32, #tpu.memory_space<hbm>>) target(%arg5 : memref<50x128xi32, #tpu.memory_space<vmem>>) target_semaphore(%run_scoped3A : memref<!tpu.dma_semaphore, #tpu.memory_space<semaphore_mem>>)
      %dma_wait3A = arith.constant 0 : i32
      %dma_wait3A_11 = tpu.memref_slice %arg3[%dma_wait3A, %mul3A_2] : memref<50x4096xi32, #tpu.memory_space<hbm>> -> memref<50x128xi32, #tpu.memory_space<hbm>>
      %dma_wait3A_12 = arith.constant 0 : i32
      %dma_wait3A_13 = tpu.memref_slice %arg3[%dma_wait3A_12, %mul3A_2] : memref<50x4096xi32, #tpu.memory_space<hbm>> -> memref<50x128xi32, #tpu.memory_space<hbm>>
      tpu.wait_dma2 semaphore(%run_scoped3A : memref<!tpu.dma_semaphore, #tpu.memory_space<semaphore_mem>>) src(%dma_wait3A_13 : memref<50x128xi32, #tpu.memory_space<hbm>>) dst(%arg5 : memref<50x128xi32, #tpu.memory_space<vmem>>)
      tpu.yield
    }) : () -> ()
    %scan3A = arith.constant 0 : i32
    %scan3A_3 = arith.constant 0 : i32
    %scan3A_4 = arith.constant 25 : i32
    %scan3A_5 = arith.addi %scan3A_3, %scan3A_4 : i32
    %scan3A_6 = arith.constant 1 : i32
    scf.for %scan3A_8 = %scan3A_3 to %scan3A_5 step %scan3A_6  : i32 {
      %mul3A_9 = arith.constant 2 : i32
      %mul3A_10 = arith.muli %mul3A_9, %scan3A_8 : i32
      %dma_start3A = arith.constant 0 : i32
      %dma_start3A_11 = arith.constant 0 : i32
      %dma_start3A_12 = tpu.memref_slice %arg6[%dma_start3A, %dma_start3A_11] : memref<256x64xf32, #tpu.memory_space<vmem>> -> memref<128x64xf32, #tpu.memory_space<vmem>>
      %dma_start3A_13 = arith.constant 0 : i32
      %dma_start3A_14 = tpu.memref_slice %arg5[%mul3A_10, %dma_start3A_13] : memref<50x128xi32, #tpu.memory_space<vmem>> -> memref<1x128xi32, #tpu.memory_space<vmem>>
      %dma_start3A_15 = tpu.memref_squeeze %dma_start3A_14 : memref<1x128xi32, #tpu.memory_space<vmem>> -> memref<128xi32, #tpu.memory_space<vmem>>
      %dma_start3A_16 = arith.constant 0 : i32
      %dma_start3A_17 = arith.constant 0 : i32
      %dma_start3A_18 = tpu.memref_slice %arg2[%dma_start3A_16, %dma_start3A_17] : memref<2000000x64xf32, #tpu.memory_space<hbm>> -> memref<2000000x64xf32, #tpu.memory_space<hbm>>
      tpu.enqueue_indirect_dma source(%dma_start3A_18 : memref<2000000x64xf32, #tpu.memory_space<hbm>>) target(%dma_start3A_12 : memref<128x64xf32, #tpu.memory_space<vmem>>) offsets(%dma_start3A_15 : memref<128xi32, #tpu.memory_space<vmem>>) semaphore(%arg7 : memref<!tpu.dma_semaphore, #tpu.memory_space<semaphore_mem>>)
      %mul3A_19 = arith.constant 2 : i32
      %mul3A_20 = arith.muli %mul3A_19, %scan3A_8 : i32
      %add3A_21 = arith.constant 1 : i32
      %add3A_22 = arith.addi %mul3A_20, %add3A_21 : i32
      %dma_start3A_23 = arith.constant 128 : i32
      %dma_start3A_24 = arith.constant 0 : i32
      %dma_start3A_25 = tpu.memref_slice %arg6[%dma_start3A_23, %dma_start3A_24] : memref<256x64xf32, #tpu.memory_space<vmem>> -> memref<128x64xf32, #tpu.memory_space<vmem>>
      %dma_start3A_26 = arith.constant 0 : i32
      %dma_start3A_27 = tpu.memref_slice %arg5[%add3A_22, %dma_start3A_26] : memref<50x128xi32, #tpu.memory_space<vmem>> -> memref<1x128xi32, #tpu.memory_space<vmem>>
      %dma_start3A_28 = tpu.memref_squeeze %dma_start3A_27 : memref<1x128xi32, #tpu.memory_space<vmem>> -> memref<128xi32, #tpu.memory_space<vmem>>
      %dma_start3A_29 = arith.constant 0 : i32
      %dma_start3A_30 = arith.constant 0 : i32
      %dma_start3A_31 = tpu.memref_slice %arg2[%dma_start3A_29, %dma_start3A_30] : memref<2000000x64xf32, #tpu.memory_space<hbm>> -> memref<2000000x64xf32, #tpu.memory_space<hbm>>
      tpu.enqueue_indirect_dma source(%dma_start3A_31 : memref<2000000x64xf32, #tpu.memory_space<hbm>>) target(%dma_start3A_25 : memref<128x64xf32, #tpu.memory_space<vmem>>) offsets(%dma_start3A_28 : memref<128xi32, #tpu.memory_space<vmem>>) semaphore(%arg7 : memref<!tpu.dma_semaphore, #tpu.memory_space<semaphore_mem>>)
      %mul3A_32 = arith.constant 4096 : i32
      %mul3A_33 = arith.muli %scan3A_8, %mul3A_32 : i32
      %mul3A_34 = arith.constant 128 : i32
      %mul3A_35 = arith.muli %add3A, %mul3A_34 : i32
      %add3A_36 = arith.addi %mul3A_33, %mul3A_35 : i32
      %dma_wait3A = arith.constant 0 : i32
      %dma_wait3A_37 = arith.constant 0 : i32
      %dma_wait3A_38 = tpu.memref_slice %arg6[%dma_wait3A, %dma_wait3A_37] : memref<256x64xf32, #tpu.memory_space<vmem>> -> memref<128x64xf32, #tpu.memory_space<vmem>>
      %dma_wait3A_39 = arith.constant 0 : i32
      %dma_wait3A_40 = tpu.memref_slice %arg5[%mul3A_10, %dma_wait3A_39] : memref<50x128xi32, #tpu.memory_space<vmem>> -> memref<1x128xi32, #tpu.memory_space<vmem>>
      %dma_wait3A_41 = tpu.memref_squeeze %dma_wait3A_40 : memref<1x128xi32, #tpu.memory_space<vmem>> -> memref<128xi32, #tpu.memory_space<vmem>>
      %dma_wait3A_42 = arith.constant 0 : i32
      %dma_wait3A_43 = arith.constant 0 : i32
      %dma_wait3A_44 = tpu.memref_slice %arg2[%dma_wait3A_42, %dma_wait3A_43] : memref<2000000x64xf32, #tpu.memory_space<hbm>> -> memref<2000000x64xf32, #tpu.memory_space<hbm>>
      tpu.wait_indirect_dma semaphore(%arg7 : memref<!tpu.dma_semaphore, #tpu.memory_space<semaphore_mem>>) src(%dma_wait3A_44 : memref<2000000x64xf32, #tpu.memory_space<hbm>>) dst(%dma_wait3A_38 : memref<128x64xf32, #tpu.memory_space<vmem>>)
      %run_scoped3A = arith.constant 0 : i32
      "tpu.region"() ({
        %run_scoped3A_55 = tpu.sem_alloc : memref<!tpu.dma_semaphore, #tpu.memory_space<semaphore_mem>>
        %dma_start3A_56 = arith.constant 0 : i32
        %dma_start3A_57 = arith.constant 0 : i32
        %dma_start3A_58 = tpu.memref_slice %arg6[%dma_start3A_56, %dma_start3A_57] : memref<256x64xf32, #tpu.memory_space<vmem>> -> memref<128x64xf32, #tpu.memory_space<vmem>>
        %dma_start3A_59 = arith.constant 0 : i32
        %dma_start3A_60 = tpu.memref_slice %arg4[%add3A_36, %run_scoped3A, %dma_start3A_59] : memref<102400x2x64xf32, #tpu.memory_space<hbm>> -> memref<128x1x64xf32, #tpu.memory_space<hbm>>
        %dma_start3A_61 = tpu.memref_squeeze %dma_start3A_60 : memref<128x1x64xf32, #tpu.memory_space<hbm>> -> memref<128x64xf32, #tpu.memory_space<hbm>>
        %dma_start3A_62 = arith.constant 0 : i32
        %dma_start3A_63 = tpu.memref_slice %arg4[%add3A_36, %run_scoped3A, %dma_start3A_62] : memref<102400x2x64xf32, #tpu.memory_space<hbm>> -> memref<128x1x64xf32, #tpu.memory_space<hbm>>
        %dma_start3A_64 = tpu.memref_squeeze %dma_start3A_63 : memref<128x1x64xf32, #tpu.memory_space<hbm>> -> memref<128x64xf32, #tpu.memory_space<hbm>>
        %dma_start3A_65 = arith.constant 0 : i32
        %dma_start3A_66 = arith.constant 0 : i32
        %dma_start3A_67 = tpu.memref_slice %arg6[%dma_start3A_65, %dma_start3A_66] : memref<256x64xf32, #tpu.memory_space<vmem>> -> memref<128x64xf32, #tpu.memory_space<vmem>>
        tpu.enqueue_dma source(%dma_start3A_67 : memref<128x64xf32, #tpu.memory_space<vmem>>) target(%dma_start3A_64 : memref<128x64xf32, #tpu.memory_space<hbm>>) target_semaphore(%run_scoped3A_55 : memref<!tpu.dma_semaphore, #tpu.memory_space<semaphore_mem>>)
        %dma_wait3A_68 = arith.constant 0 : i32
        %dma_wait3A_69 = arith.constant 0 : i32
        %dma_wait3A_70 = tpu.memref_slice %arg6[%dma_wait3A_68, %dma_wait3A_69] : memref<256x64xf32, #tpu.memory_space<vmem>> -> memref<128x64xf32, #tpu.memory_space<vmem>>
        %dma_wait3A_71 = arith.constant 0 : i32
        %dma_wait3A_72 = tpu.memref_slice %arg4[%add3A_36, %run_scoped3A, %dma_wait3A_71] : memref<102400x2x64xf32, #tpu.memory_space<hbm>> -> memref<128x1x64xf32, #tpu.memory_space<hbm>>
        %dma_wait3A_73 = tpu.memref_squeeze %dma_wait3A_72 : memref<128x1x64xf32, #tpu.memory_space<hbm>> -> memref<128x64xf32, #tpu.memory_space<hbm>>
        %dma_wait3A_74 = arith.constant 0 : i32
        %dma_wait3A_75 = tpu.memref_slice %arg4[%add3A_36, %run_scoped3A, %dma_wait3A_74] : memref<102400x2x64xf32, #tpu.memory_space<hbm>> -> memref<128x1x64xf32, #tpu.memory_space<hbm>>
        %dma_wait3A_76 = tpu.memref_squeeze %dma_wait3A_75 : memref<128x1x64xf32, #tpu.memory_space<hbm>> -> memref<128x64xf32, #tpu.memory_space<hbm>>
        %dma_wait3A_77 = arith.constant 0 : i32
        %dma_wait3A_78 = arith.constant 0 : i32
        %dma_wait3A_79 = tpu.memref_slice %arg6[%dma_wait3A_77, %dma_wait3A_78] : memref<256x64xf32, #tpu.memory_space<vmem>> -> memref<128x64xf32, #tpu.memory_space<vmem>>
        tpu.wait_dma2 semaphore(%run_scoped3A_55 : memref<!tpu.dma_semaphore, #tpu.memory_space<semaphore_mem>>) src(%dma_wait3A_79 : memref<128x64xf32, #tpu.memory_space<vmem>>) dst(%dma_wait3A_76 : memref<128x64xf32, #tpu.memory_space<hbm>>)
        tpu.yield
      }) : () -> ()
      %dma_wait3A_45 = arith.constant 128 : i32
      %dma_wait3A_46 = arith.constant 0 : i32
      %dma_wait3A_47 = tpu.memref_slice %arg6[%dma_wait3A_45, %dma_wait3A_46] : memref<256x64xf32, #tpu.memory_space<vmem>> -> memref<128x64xf32, #tpu.memory_space<vmem>>
      %dma_wait3A_48 = arith.constant 0 : i32
      %dma_wait3A_49 = tpu.memref_slice %arg5[%add3A_22, %dma_wait3A_48] : memref<50x128xi32, #tpu.memory_space<vmem>> -> memref<1x128xi32, #tpu.memory_space<vmem>>
      %dma_wait3A_50 = tpu.memref_squeeze %dma_wait3A_49 : memref<1x128xi32, #tpu.memory_space<vmem>> -> memref<128xi32, #tpu.memory_space<vmem>>
      %dma_wait3A_51 = arith.constant 0 : i32
      %dma_wait3A_52 = arith.constant 0 : i32
      %dma_wait3A_53 = tpu.memref_slice %arg2[%dma_wait3A_51, %dma_wait3A_52] : memref<2000000x64xf32, #tpu.memory_space<hbm>> -> memref<2000000x64xf32, #tpu.memory_space<hbm>>
      tpu.wait_indirect_dma semaphore(%arg7 : memref<!tpu.dma_semaphore, #tpu.memory_space<semaphore_mem>>) src(%dma_wait3A_53 : memref<2000000x64xf32, #tpu.memory_space<hbm>>) dst(%dma_wait3A_47 : memref<128x64xf32, #tpu.memory_space<vmem>>)
      %run_scoped3A_54 = arith.constant 1 : i32
      "tpu.region"() ({
        %run_scoped3A_55 = tpu.sem_alloc : memref<!tpu.dma_semaphore, #tpu.memory_space<semaphore_mem>>
        %dma_start3A_56 = arith.constant 128 : i32
        %dma_start3A_57 = arith.constant 0 : i32
        %dma_start3A_58 = tpu.memref_slice %arg6[%dma_start3A_56, %dma_start3A_57] : memref<256x64xf32, #tpu.memory_space<vmem>> -> memref<128x64xf32, #tpu.memory_space<vmem>>
        %dma_start3A_59 = arith.constant 0 : i32
        %dma_start3A_60 = tpu.memref_slice %arg4[%add3A_36, %run_scoped3A_54, %dma_start3A_59] : memref<102400x2x64xf32, #tpu.memory_space<hbm>> -> memref<128x1x64xf32, #tpu.memory_space<hbm>>
        %dma_start3A_61 = tpu.memref_squeeze %dma_start3A_60 : memref<128x1x64xf32, #tpu.memory_space<hbm>> -> memref<128x64xf32, #tpu.memory_space<hbm>>
        %dma_start3A_62 = arith.constant 0 : i32
        %dma_start3A_63 = tpu.memref_slice %arg4[%add3A_36, %run_scoped3A_54, %dma_start3A_62] : memref<102400x2x64xf32, #tpu.memory_space<hbm>> -> memref<128x1x64xf32, #tpu.memory_space<hbm>>
        %dma_start3A_64 = tpu.memref_squeeze %dma_start3A_63 : memref<128x1x64xf32, #tpu.memory_space<hbm>> -> memref<128x64xf32, #tpu.memory_space<hbm>>
        %dma_start3A_65 = arith.constant 128 : i32
        %dma_start3A_66 = arith.constant 0 : i32
        %dma_start3A_67 = tpu.memref_slice %arg6[%dma_start3A_65, %dma_start3A_66] : memref<256x64xf32, #tpu.memory_space<vmem>> -> memref<128x64xf32, #tpu.memory_space<vmem>>
        tpu.enqueue_dma source(%dma_start3A_67 : memref<128x64xf32, #tpu.memory_space<vmem>>) target(%dma_start3A_64 : memref<128x64xf32, #tpu.memory_space<hbm>>) target_semaphore(%run_scoped3A_55 : memref<!tpu.dma_semaphore, #tpu.memory_space<semaphore_mem>>)
        %dma_wait3A_68 = arith.constant 128 : i32
        %dma_wait3A_69 = arith.constant 0 : i32
        %dma_wait3A_70 = tpu.memref_slice %arg6[%dma_wait3A_68, %dma_wait3A_69] : memref<256x64xf32, #tpu.memory_space<vmem>> -> memref<128x64xf32, #tpu.memory_space<vmem>>
        %dma_wait3A_71 = arith.constant 0 : i32
        %dma_wait3A_72 = tpu.memref_slice %arg4[%add3A_36, %run_scoped3A_54, %dma_wait3A_71] : memref<102400x2x64xf32, #tpu.memory_space<hbm>> -> memref<128x1x64xf32, #tpu.memory_space<hbm>>
        %dma_wait3A_73 = tpu.memref_squeeze %dma_wait3A_72 : memref<128x1x64xf32, #tpu.memory_space<hbm>> -> memref<128x64xf32, #tpu.memory_space<hbm>>
        %dma_wait3A_74 = arith.constant 0 : i32
        %dma_wait3A_75 = tpu.memref_slice %arg4[%add3A_36, %run_scoped3A_54, %dma_wait3A_74] : memref<102400x2x64xf32, #tpu.memory_space<hbm>> -> memref<128x1x64xf32, #tpu.memory_space<hbm>>
        %dma_wait3A_76 = tpu.memref_squeeze %dma_wait3A_75 : memref<128x1x64xf32, #tpu.memory_space<hbm>> -> memref<128x64xf32, #tpu.memory_space<hbm>>
        %dma_wait3A_77 = arith.constant 128 : i32
        %dma_wait3A_78 = arith.constant 0 : i32
        %dma_wait3A_79 = tpu.memref_slice %arg6[%dma_wait3A_77, %dma_wait3A_78] : memref<256x64xf32, #tpu.memory_space<vmem>> -> memref<128x64xf32, #tpu.memory_space<vmem>>
        tpu.wait_dma2 semaphore(%run_scoped3A_55 : memref<!tpu.dma_semaphore, #tpu.memory_space<semaphore_mem>>) src(%dma_wait3A_79 : memref<128x64xf32, #tpu.memory_space<vmem>>) dst(%dma_wait3A_76 : memref<128x64xf32, #tpu.memory_space<hbm>>)
        tpu.yield
      }) : () -> ()
    }
    %scan3A_7 = arith.constant 25 : i32
    return
  }
}

#map = affine_map<(d0, d1) -> (0, 0)>
#map1 = affine_map<(d0, d1) -> (0, 0, 0)>
module attributes {stable_mosaic.version = 14 : i64} {
  func.func @gather_k(%arg0: i32, %arg1: i32, %arg2: memref<2000000x64xf32, #tpu.memory_space<hbm>>, %arg3: memref<50x4096xi32, #tpu.memory_space<hbm>>, %arg4: memref<102400x2x64xf32, #tpu.memory_space<hbm>>, %arg5: memref<50x128xi32, #tpu.memory_space<vmem>>, %arg6: memref<256x64xf32, #tpu.memory_space<vmem>>, %arg7: memref<!tpu.dma_semaphore, #tpu.memory_space<semaphore_mem>>) attributes {dimension_semantics = [#tpu.dimension_semantics<core_parallel>, #tpu.dimension_semantics<subcore_parallel>], iteration_bounds = array<i64: 2, 16>, scalar_prefetch = 0 : i64, scratch_operands = 3 : i64, tpu.core_type = #tpu.core_type<sc_vector_subcore>, window_params = [{transform_indices = #map}, {transform_indices = #map}, {transform_indices = #map1}]} {
    %mul3A = arith.constant 2 : i32
    %mul3A_0 = arith.muli %arg1, %mul3A : i32
    %add3A = arith.addi %mul3A_0, %arg0 : i32
    %mul3A_1 = arith.constant 128 : i32
    %mul3A_2 = arith.muli %add3A, %mul3A_1 : i32
    "tpu.region"() ({
      %run_scoped3A = tpu.sem_alloc : memref<!tpu.dma_semaphore, #tpu.memory_space<semaphore_mem>>
      %dma_start3A = arith.constant 0 : i32
      %dma_start3A_8 = tpu.memref_slice %arg3[%dma_start3A, %mul3A_2] : memref<50x4096xi32, #tpu.memory_space<hbm>> -> memref<50x128xi32, #tpu.memory_space<hbm>>
      %dma_start3A_9 = arith.constant 0 : i32
      %dma_start3A_10 = tpu.memref_slice %arg3[%dma_start3A_9, %mul3A_2] : memref<50x4096xi32, #tpu.memory_space<hbm>> -> memref<50x128xi32, #tpu.memory_space<hbm>>
      tpu.enqueue_dma source(%dma_start3A_10 : memref<50x128xi32, #tpu.memory_space<hbm>>) target(%arg5 : memref<50x128xi32, #tpu.memory_space<vmem>>) target_semaphore(%run_scoped3A : memref<!tpu.dma_semaphore, #tpu.memory_space<semaphore_mem>>)
      %dma_wait3A = arith.constant 0 : i32
      %dma_wait3A_11 = tpu.memref_slice %arg3[%dma_wait3A, %mul3A_2] : memref<50x4096xi32, #tpu.memory_space<hbm>> -> memref<50x128xi32, #tpu.memory_space<hbm>>
      %dma_wait3A_12 = arith.constant 0 : i32
      %dma_wait3A_13 = tpu.memref_slice %arg3[%dma_wait3A_12, %mul3A_2] : memref<50x4096xi32, #tpu.memory_space<hbm>> -> memref<50x128xi32, #tpu.memory_space<hbm>>
      tpu.wait_dma2 semaphore(%run_scoped3A : memref<!tpu.dma_semaphore, #tpu.memory_space<semaphore_mem>>) src(%dma_wait3A_13 : memref<50x128xi32, #tpu.memory_space<hbm>>) dst(%arg5 : memref<50x128xi32, #tpu.memory_space<vmem>>)
      tpu.yield
    }) : () -> ()
    %scan3A = arith.constant 0 : i32
    %scan3A_3 = arith.constant 0 : i32
    %scan3A_4 = arith.constant 25 : i32
    %scan3A_5 = arith.addi %scan3A_3, %scan3A_4 : i32
    %scan3A_6 = arith.constant 1 : i32
    scf.for %scan3A_8 = %scan3A_3 to %scan3A_5 step %scan3A_6  : i32 {
      %mul3A_9 = arith.constant 2 : i32
      %mul3A_10 = arith.muli %mul3A_9, %scan3A_8 : i32
      %dma_start3A = arith.constant 0 : i32
      %dma_start3A_11 = arith.constant 0 : i32
      %dma_start3A_12 = tpu.memref_slice %arg6[%dma_start3A, %dma_start3A_11] : memref<256x64xf32, #tpu.memory_space<vmem>> -> memref<128x64xf32, #tpu.memory_space<vmem>>
      %dma_start3A_13 = arith.constant 0 : i32
      %dma_start3A_14 = tpu.memref_slice %arg5[%mul3A_10, %dma_start3A_13] : memref<50x128xi32, #tpu.memory_space<vmem>> -> memref<1x128xi32, #tpu.memory_space<vmem>>
      %dma_start3A_15 = tpu.memref_squeeze %dma_start3A_14 : memref<1x128xi32, #tpu.memory_space<vmem>> -> memref<128xi32, #tpu.memory_space<vmem>>
      %dma_start3A_16 = arith.constant 0 : i32
      %dma_start3A_17 = arith.constant 0 : i32
      %dma_start3A_18 = tpu.memref_slice %arg2[%dma_start3A_16, %dma_start3A_17] : memref<2000000x64xf32, #tpu.memory_space<hbm>> -> memref<2000000x64xf32, #tpu.memory_space<hbm>>
      tpu.enqueue_indirect_dma source(%dma_start3A_18 : memref<2000000x64xf32, #tpu.memory_space<hbm>>) target(%dma_start3A_12 : memref<128x64xf32, #tpu.memory_space<vmem>>) offsets(%dma_start3A_15 : memref<128xi32, #tpu.memory_space<vmem>>) semaphore(%arg7 : memref<!tpu.dma_semaphore, #tpu.memory_space<semaphore_mem>>)
      %mul3A_19 = arith.constant 2 : i32
      %mul3A_20 = arith.muli %mul3A_19, %scan3A_8 : i32
      %add3A_21 = arith.constant 1 : i32
      %add3A_22 = arith.addi %mul3A_20, %add3A_21 : i32
      %dma_start3A_23 = arith.constant 128 : i32
      %dma_start3A_24 = arith.constant 0 : i32
      %dma_start3A_25 = tpu.memref_slice %arg6[%dma_start3A_23, %dma_start3A_24] : memref<256x64xf32, #tpu.memory_space<vmem>> -> memref<128x64xf32, #tpu.memory_space<vmem>>
      %dma_start3A_26 = arith.constant 0 : i32
      %dma_start3A_27 = tpu.memref_slice %arg5[%add3A_22, %dma_start3A_26] : memref<50x128xi32, #tpu.memory_space<vmem>> -> memref<1x128xi32, #tpu.memory_space<vmem>>
      %dma_start3A_28 = tpu.memref_squeeze %dma_start3A_27 : memref<1x128xi32, #tpu.memory_space<vmem>> -> memref<128xi32, #tpu.memory_space<vmem>>
      %dma_start3A_29 = arith.constant 0 : i32
      %dma_start3A_30 = arith.constant 0 : i32
      %dma_start3A_31 = tpu.memref_slice %arg2[%dma_start3A_29, %dma_start3A_30] : memref<2000000x64xf32, #tpu.memory_space<hbm>> -> memref<2000000x64xf32, #tpu.memory_space<hbm>>
      tpu.enqueue_indirect_dma source(%dma_start3A_31 : memref<2000000x64xf32, #tpu.memory_space<hbm>>) target(%dma_start3A_25 : memref<128x64xf32, #tpu.memory_space<vmem>>) offsets(%dma_start3A_28 : memref<128xi32, #tpu.memory_space<vmem>>) semaphore(%arg7 : memref<!tpu.dma_semaphore, #tpu.memory_space<semaphore_mem>>)
      %mul3A_32 = arith.constant 4096 : i32
      %mul3A_33 = arith.muli %scan3A_8, %mul3A_32 : i32
      %mul3A_34 = arith.constant 128 : i32
      %mul3A_35 = arith.muli %add3A, %mul3A_34 : i32
      %add3A_36 = arith.addi %mul3A_33, %mul3A_35 : i32
      %dma_wait3A = arith.constant 0 : i32
      %dma_wait3A_37 = arith.constant 0 : i32
      %dma_wait3A_38 = tpu.memref_slice %arg6[%dma_wait3A, %dma_wait3A_37] : memref<256x64xf32, #tpu.memory_space<vmem>> -> memref<128x64xf32, #tpu.memory_space<vmem>>
      %dma_wait3A_39 = arith.constant 0 : i32
      %dma_wait3A_40 = tpu.memref_slice %arg5[%mul3A_10, %dma_wait3A_39] : memref<50x128xi32, #tpu.memory_space<vmem>> -> memref<1x128xi32, #tpu.memory_space<vmem>>
      %dma_wait3A_41 = tpu.memref_squeeze %dma_wait3A_40 : memref<1x128xi32, #tpu.memory_space<vmem>> -> memref<128xi32, #tpu.memory_space<vmem>>
      %dma_wait3A_42 = arith.constant 0 : i32
      %dma_wait3A_43 = arith.constant 0 : i32
      %dma_wait3A_44 = tpu.memref_slice %arg2[%dma_wait3A_42, %dma_wait3A_43] : memref<2000000x64xf32, #tpu.memory_space<hbm>> -> memref<2000000x64xf32, #tpu.memory_space<hbm>>
      tpu.wait_indirect_dma semaphore(%arg7 : memref<!tpu.dma_semaphore, #tpu.memory_space<semaphore_mem>>) src(%dma_wait3A_44 : memref<2000000x64xf32, #tpu.memory_space<hbm>>) dst(%dma_wait3A_38 : memref<128x64xf32, #tpu.memory_space<vmem>>)
      %run_scoped3A = arith.constant 0 : i32
      "tpu.region"() ({
        %run_scoped3A_55 = tpu.sem_alloc : memref<!tpu.dma_semaphore, #tpu.memory_space<semaphore_mem>>
        %dma_start3A_56 = arith.constant 0 : i32
        %dma_start3A_57 = arith.constant 0 : i32
        %dma_start3A_58 = tpu.memref_slice %arg6[%dma_start3A_56, %dma_start3A_57] : memref<256x64xf32, #tpu.memory_space<vmem>> -> memref<128x64xf32, #tpu.memory_space<vmem>>
        %dma_start3A_59 = arith.constant 0 : i32
        %dma_start3A_60 = tpu.memref_slice %arg4[%add3A_36, %run_scoped3A, %dma_start3A_59] : memref<102400x2x64xf32, #tpu.memory_space<hbm>> -> memref<128x1x64xf32, #tpu.memory_space<hbm>>
        %dma_start3A_61 = tpu.memref_squeeze %dma_start3A_60 : memref<128x1x64xf32, #tpu.memory_space<hbm>> -> memref<128x64xf32, #tpu.memory_space<hbm>>
        %dma_start3A_62 = arith.constant 0 : i32
        %dma_start3A_63 = tpu.memref_slice %arg4[%add3A_36, %run_scoped3A, %dma_start3A_62] : memref<102400x2x64xf32, #tpu.memory_space<hbm>> -> memref<128x1x64xf32, #tpu.memory_space<hbm>>
        %dma_start3A_64 = tpu.memref_squeeze %dma_start3A_63 : memref<128x1x64xf32, #tpu.memory_space<hbm>> -> memref<128x64xf32, #tpu.memory_space<hbm>>
        %dma_start3A_65 = arith.constant 0 : i32
        %dma_start3A_66 = arith.constant 0 : i32
        %dma_start3A_67 = tpu.memref_slice %arg6[%dma_start3A_65, %dma_start3A_66] : memref<256x64xf32, #tpu.memory_space<vmem>> -> memref<128x64xf32, #tpu.memory_space<vmem>>
        tpu.enqueue_dma source(%dma_start3A_67 : memref<128x64xf32, #tpu.memory_space<vmem>>) target(%dma_start3A_64 : memref<128x64xf32, #tpu.memory_space<hbm>>) target_semaphore(%run_scoped3A_55 : memref<!tpu.dma_semaphore, #tpu.memory_space<semaphore_mem>>)
        %dma_wait3A_68 = arith.constant 0 : i32
        %dma_wait3A_69 = arith.constant 0 : i32
        %dma_wait3A_70 = tpu.memref_slice %arg6[%dma_wait3A_68, %dma_wait3A_69] : memref<256x64xf32, #tpu.memory_space<vmem>> -> memref<128x64xf32, #tpu.memory_space<vmem>>
        %dma_wait3A_71 = arith.constant 0 : i32
        %dma_wait3A_72 = tpu.memref_slice %arg4[%add3A_36, %run_scoped3A, %dma_wait3A_71] : memref<102400x2x64xf32, #tpu.memory_space<hbm>> -> memref<128x1x64xf32, #tpu.memory_space<hbm>>
        %dma_wait3A_73 = tpu.memref_squeeze %dma_wait3A_72 : memref<128x1x64xf32, #tpu.memory_space<hbm>> -> memref<128x64xf32, #tpu.memory_space<hbm>>
        %dma_wait3A_74 = arith.constant 0 : i32
        %dma_wait3A_75 = tpu.memref_slice %arg4[%add3A_36, %run_scoped3A, %dma_wait3A_74] : memref<102400x2x64xf32, #tpu.memory_space<hbm>> -> memref<128x1x64xf32, #tpu.memory_space<hbm>>
        %dma_wait3A_76 = tpu.memref_squeeze %dma_wait3A_75 : memref<128x1x64xf32, #tpu.memory_space<hbm>> -> memref<128x64xf32, #tpu.memory_space<hbm>>
        %dma_wait3A_77 = arith.constant 0 : i32
        %dma_wait3A_78 = arith.constant 0 : i32
        %dma_wait3A_79 = tpu.memref_slice %arg6[%dma_wait3A_77, %dma_wait3A_78] : memref<256x64xf32, #tpu.memory_space<vmem>> -> memref<128x64xf32, #tpu.memory_space<vmem>>
        tpu.wait_dma2 semaphore(%run_scoped3A_55 : memref<!tpu.dma_semaphore, #tpu.memory_space<semaphore_mem>>) src(%dma_wait3A_79 : memref<128x64xf32, #tpu.memory_space<vmem>>) dst(%dma_wait3A_76 : memref<128x64xf32, #tpu.memory_space<hbm>>)
        tpu.yield
      }) : () -> ()
      %dma_wait3A_45 = arith.constant 128 : i32
      %dma_wait3A_46 = arith.constant 0 : i32
      %dma_wait3A_47 = tpu.memref_slice %arg6[%dma_wait3A_45, %dma_wait3A_46] : memref<256x64xf32, #tpu.memory_space<vmem>> -> memref<128x64xf32, #tpu.memory_space<vmem>>
      %dma_wait3A_48 = arith.constant 0 : i32
      %dma_wait3A_49 = tpu.memref_slice %arg5[%add3A_22, %dma_wait3A_48] : memref<50x128xi32, #tpu.memory_space<vmem>> -> memref<1x128xi32, #tpu.memory_space<vmem>>
      %dma_wait3A_50 = tpu.memref_squeeze %dma_wait3A_49 : memref<1x128xi32, #tpu.memory_space<vmem>> -> memref<128xi32, #tpu.memory_space<vmem>>
      %dma_wait3A_51 = arith.constant 0 : i32
      %dma_wait3A_52 = arith.constant 0 : i32
      %dma_wait3A_53 = tpu.memref_slice %arg2[%dma_wait3A_51, %dma_wait3A_52] : memref<2000000x64xf32, #tpu.memory_space<hbm>> -> memref<2000000x64xf32, #tpu.memory_space<hbm>>
      tpu.wait_indirect_dma semaphore(%arg7 : memref<!tpu.dma_semaphore, #tpu.memory_space<semaphore_mem>>) src(%dma_wait3A_53 : memref<2000000x64xf32, #tpu.memory_space<hbm>>) dst(%dma_wait3A_47 : memref<128x64xf32, #tpu.memory_space<vmem>>)
      %run_scoped3A_54 = arith.constant 1 : i32
      "tpu.region"() ({
        %run_scoped3A_55 = tpu.sem_alloc : memref<!tpu.dma_semaphore, #tpu.memory_space<semaphore_mem>>
        %dma_start3A_56 = arith.constant 128 : i32
        %dma_start3A_57 = arith.constant 0 : i32
        %dma_start3A_58 = tpu.memref_slice %arg6[%dma_start3A_56, %dma_start3A_57] : memref<256x64xf32, #tpu.memory_space<vmem>> -> memref<128x64xf32, #tpu.memory_space<vmem>>
        %dma_start3A_59 = arith.constant 0 : i32
        %dma_start3A_60 = tpu.memref_slice %arg4[%add3A_36, %run_scoped3A_54, %dma_start3A_59] : memref<102400x2x64xf32, #tpu.memory_space<hbm>> -> memref<128x1x64xf32, #tpu.memory_space<hbm>>
        %dma_start3A_61 = tpu.memref_squeeze %dma_start3A_60 : memref<128x1x64xf32, #tpu.memory_space<hbm>> -> memref<128x64xf32, #tpu.memory_space<hbm>>
        %dma_start3A_62 = arith.constant 0 : i32
        %dma_start3A_63 = tpu.memref_slice %arg4[%add3A_36, %run_scoped3A_54, %dma_start3A_62] : memref<102400x2x64xf32, #tpu.memory_space<hbm>> -> memref<128x1x64xf32, #tpu.memory_space<hbm>>
        %dma_start3A_64 = tpu.memref_squeeze %dma_start3A_63 : memref<128x1x64xf32, #tpu.memory_space<hbm>> -> memref<128x64xf32, #tpu.memory_space<hbm>>
        %dma_start3A_65 = arith.constant 128 : i32
        %dma_start3A_66 = arith.constant 0 : i32
        %dma_start3A_67 = tpu.memref_slice %arg6[%dma_start3A_65, %dma_start3A_66] : memref<256x64xf32, #tpu.memory_space<vmem>> -> memref<128x64xf32, #tpu.memory_space<vmem>>
        tpu.enqueue_dma source(%dma_start3A_67 : memref<128x64xf32, #tpu.memory_space<vmem>>) target(%dma_start3A_64 : memref<128x64xf32, #tpu.memory_space<hbm>>) target_semaphore(%run_scoped3A_55 : memref<!tpu.dma_semaphore, #tpu.memory_space<semaphore_mem>>)
        %dma_wait3A_68 = arith.constant 128 : i32
        %dma_wait3A_69 = arith.constant 0 : i32
        %dma_wait3A_70 = tpu.memref_slice %arg6[%dma_wait3A_68, %dma_wait3A_69] : memref<256x64xf32, #tpu.memory_space<vmem>> -> memref<128x64xf32, #tpu.memory_space<vmem>>
        %dma_wait3A_71 = arith.constant 0 : i32
        %dma_wait3A_72 = tpu.memref_slice %arg4[%add3A_36, %run_scoped3A_54, %dma_wait3A_71] : memref<102400x2x64xf32, #tpu.memory_space<hbm>> -> memref<128x1x64xf32, #tpu.memory_space<hbm>>
        %dma_wait3A_73 = tpu.memref_squeeze %dma_wait3A_72 : memref<128x1x64xf32, #tpu.memory_space<hbm>> -> memref<128x64xf32, #tpu.memory_space<hbm>>
        %dma_wait3A_74 = arith.constant 0 : i32
        %dma_wait3A_75 = tpu.memref_slice %arg4[%add3A_36, %run_scoped3A_54, %dma_wait3A_74] : memref<102400x2x64xf32, #tpu.memory_space<hbm>> -> memref<128x1x64xf32, #tpu.memory_space<hbm>>
        %dma_wait3A_76 = tpu.memref_squeeze %dma_wait3A_75 : memref<128x1x64xf32, #tpu.memory_space<hbm>> -> memref<128x64xf32, #tpu.memory_space<hbm>>
        %dma_wait3A_77 = arith.constant 128 : i32
        %dma_wait3A_78 = arith.constant 0 : i32
        %dma_wait3A_79 = tpu.memref_slice %arg6[%dma_wait3A_77, %dma_wait3A_78] : memref<256x64xf32, #tpu.memory_space<vmem>> -> memref<128x64xf32, #tpu.memory_space<vmem>>
        tpu.wait_dma2 semaphore(%run_scoped3A_55 : memref<!tpu.dma_semaphore, #tpu.memory_space<semaphore_mem>>) src(%dma_wait3A_79 : memref<128x64xf32, #tpu.memory_space<vmem>>) dst(%dma_wait3A_76 : memref<128x64xf32, #tpu.memory_space<hbm>>)
        tpu.yield
      }) : () -> ()
    }
    %scan3A_7 = arith.constant 25 : i32
    return
  }
}

module attributes {stable_mosaic.version = 14 : i64} {
  func.func @_transform_body(%arg0: i32, %arg1: memref<64x16384xf32, #tpu.memory_space<vmem>>, %arg2: memref<64x64xf32, #tpu.memory_space<vmem>>, %arg3: memref<1x64xf32, #tpu.memory_space<vmem>>, %arg4: memref<16384x128xf32, #tpu.memory_space<vmem>>) attributes {dimension_semantics = [#tpu.dimension_semantics<arbitrary>], iteration_bounds = array<i64: 62>, scalar_prefetch = 0 : i64, scratch_operands = 0 : i64, tpu.core_type = #tpu.core_type<tc>, window_params = [{transform_indices = @transform_0, window_bounds = array<i64: 64, 16384>}, {pipeline_mode = #tpu.pipeline_mode<synchronous>, transform_indices = @transform_1, window_bounds = array<i64: 64, 64>}, {pipeline_mode = #tpu.pipeline_mode<synchronous>, transform_indices = @transform_2, window_bounds = array<i64: 1, 64>}, {transform_indices = @transform_3, window_bounds = array<i64: 16384, 128>}]} {
    %get3A = arith.constant 0 : index
    %get3A_0 = arith.constant 0 : index
    %get3A_1 = vector.load %arg1[%get3A, %get3A_0] : memref<64x16384xf32, #tpu.memory_space<vmem>>, vector<64x16384xf32>
    %get3A_2 = arith.constant 0 : index
    %get3A_3 = arith.constant 0 : index
    %get3A_4 = vector.load %arg2[%get3A_2, %get3A_3] : memref<64x64xf32, #tpu.memory_space<vmem>>, vector<64x64xf32>
    %dot_general3A = arith.constant dense<0.000000e+00> : vector<16384x64xf32>
    %dot_general3A_5 = tpu.matmul %get3A_1, %get3A_4, %dot_general3A {dimension_numbers = #tpu.dot_dimension_numbers<[0], [1], [1], [0], [0, 1, 1, 0], [], []>, transpose_lhs_hint = false} : vector<64x16384xf32>, vector<64x64xf32>, vector<16384x64xf32> -> vector<16384x64xf32>
    %get3A_6 = arith.constant 0 : index
    %get3A_7 = arith.constant 0 : index
    %get3A_8 = vector.load %arg3[%get3A_6, %get3A_7] : memref<1x64xf32, #tpu.memory_space<vmem>>, vector<1x64xf32>
    %add3A = vector.broadcast %get3A_8 : vector<1x64xf32> to vector<16384x64xf32>
    %add3A_9 = arith.addf %dot_general3A_5, %add3A : vector<16384x64xf32>
    %swap3A = arith.constant 0 : index
    %swap3A_10 = arith.constant 0 : index
    %swap3A_11 = vector.load %arg4[%swap3A, %swap3A_10] : memref<16384x128xf32, #tpu.memory_space<vmem>>, vector<16384x64xf32>
    tpu.vector_store %arg4[%swap3A, %swap3A_10], %add3A_9 {strides = array<i32>} : memref<16384x128xf32, #tpu.memory_space<vmem>>, vector<16384x64xf32>,
    %swap3A_12 = arith.constant 0 : index
    %swap3A_13 = arith.constant 64 : index
    %swap3A_14 = vector.load %arg4[%swap3A_12, %swap3A_13] : memref<16384x128xf32, #tpu.memory_space<vmem>>, vector<16384x64xf32>
    tpu.vector_store %arg4[%swap3A_12, %swap3A_13], %add3A_9 {strides = array<i32>} : memref<16384x128xf32, #tpu.memory_space<vmem>>, vector<16384x64xf32>,
    return
  }
  func.func @transform_0(%arg0: i32) -> (i32, i32) {
    %c0_i32 = arith.constant 0 : i32
    %c0_i32_0 = arith.constant 0 : i32
    return %c0_i32, %arg0 : i32, i32
  }
  func.func @transform_1(%arg0: i32) -> (i32, i32) {
    %c0_i32 = arith.constant 0 : i32
    %c0_i32_0 = arith.constant 0 : i32
    %c0_i32_1 = arith.constant 0 : i32
    return %c0_i32, %c0_i32_0 : i32, i32
  }
  func.func @transform_2(%arg0: i32) -> (i32, i32) {
    %c0_i32 = arith.constant 0 : i32
    %c0_i32_0 = arith.constant 0 : i32
    %c0_i32_1 = arith.constant 0 : i32
    return %c0_i32, %c0_i32_0 : i32, i32
  }
  func.func @transform_3(%arg0: i32) -> (i32, i32) {
    %c0_i32 = arith.constant 0 : i32
    %c0_i32_0 = arith.constant 0 : i32
    return %arg0, %c0_i32 : i32, i32
  }
}

module attributes {stable_mosaic.version = 14 : i64} {
  func.func @_xpose_body(%arg0: i32, %arg1: memref<1x4096x128xf32, #tpu.memory_space<vmem>>, %arg2: memref<2x64x4096xf32, #tpu.memory_space<vmem>>) attributes {dimension_semantics = [#tpu.dimension_semantics<arbitrary>], iteration_bounds = array<i64: 25>, scalar_prefetch = 0 : i64, scratch_operands = 0 : i64, tpu.core_type = #tpu.core_type<tc>, window_params = [{transform_indices = @transform_0, window_bounds = array<i64: 1, 4096, 128>}, {transform_indices = @transform_1, window_bounds = array<i64: 2, 64, 4096>}]} {
    %get3A = arith.constant 0 : index
    %get3A_0 = arith.constant 0 : index
    %get3A_1 = arith.constant 0 : index
    %get3A_2 = vector.load %arg1[%get3A, %get3A_0, %get3A_1] : memref<1x4096x128xf32, #tpu.memory_space<vmem>>, vector<1x4096x128xf32>
    %get3A_3 = vector.shape_cast %get3A_2 : vector<1x4096x128xf32> to vector<4096x128xf32>
    %slice3A = vector.extract_strided_slice %get3A_3 {offsets = [0, 0], sizes = [4096, 64], strides = [1, 1]} : vector<4096x128xf32> to vector<4096x64xf32>
    %transpose3A = tpu.transpose %slice3A, [1, 0] : vector<4096x64xf32> -> vector<64x4096xf32>
    %swap3A = arith.constant 0 : index
    %swap3A_4 = arith.constant 0 : index
    %swap3A_5 = arith.constant 0 : index
    %swap3A_6 = vector.load %arg2[%swap3A, %swap3A_4, %swap3A_5] : memref<2x64x4096xf32, #tpu.memory_space<vmem>>, vector<1x64x4096xf32>
    %swap3A_7 = vector.shape_cast %swap3A_6 : vector<1x64x4096xf32> to vector<64x4096xf32>
    %swap3A_8 = vector.shape_cast %transpose3A : vector<64x4096xf32> to vector<1x64x4096xf32>
    tpu.vector_store %arg2[%swap3A, %swap3A_4, %swap3A_5], %swap3A_8 {strides = array<i32>} : memref<2x64x4096xf32, #tpu.memory_space<vmem>>, vector<1x64x4096xf32>,
    %slice3A_9 = vector.extract_strided_slice %get3A_3 {offsets = [0, 64], sizes = [4096, 64], strides = [1, 1]} : vector<4096x128xf32> to vector<4096x64xf32>
    %transpose3A_10 = tpu.transpose %slice3A_9, [1, 0] : vector<4096x64xf32> -> vector<64x4096xf32>
    %swap3A_11 = arith.constant 1 : index
    %swap3A_12 = arith.constant 0 : index
    %swap3A_13 = arith.constant 0 : index
    %swap3A_14 = vector.load %arg2[%swap3A_11, %swap3A_12, %swap3A_13] : memref<2x64x4096xf32, #tpu.memory_space<vmem>>, vector<1x64x4096xf32>
    %swap3A_15 = vector.shape_cast %swap3A_14 : vector<1x64x4096xf32> to vector<64x4096xf32>
    %swap3A_16 = vector.shape_cast %transpose3A_10 : vector<64x4096xf32> to vector<1x64x4096xf32>
    tpu.vector_store %arg2[%swap3A_11, %swap3A_12, %swap3A_13], %swap3A_16 {strides = array<i32>} : memref<2x64x4096xf32, #tpu.memory_space<vmem>>, vector<1x64x4096xf32>,
    return
  }
  func.func @transform_0(%arg0: i32) -> (i32, i32, i32) {
    %c0_i32 = arith.constant 0 : i32
    %c0_i32_0 = arith.constant 0 : i32
    %c0_i32_1 = arith.constant 0 : i32
    return %arg0, %c0_i32, %c0_i32_0 : i32, i32, i32
  }
  func.func @transform_1(%arg0: i32) -> (i32, i32, i32) {
    %add3A = arith.constant 0 : i32
    %add3A_0 = arith.addi %add3A, %arg0 : i32
    %c0_i32 = arith.constant 0 : i32
    %c0_i32_1 = arith.constant 0 : i32
    %c0_i32_2 = arith.constant 0 : i32
    return %add3A_0, %c0_i32, %c0_i32_1 : i32, i32, i32
  }
}

module attributes {stable_mosaic.version = 14 : i64} {
  func.func @_xpose_body_acc(%arg0: i32, %arg1: memref<200x64x4096xf32, #tpu.memory_space<any>>, %arg2: memref<1x4096x128xf32, #tpu.memory_space<vmem>>, %arg3: memref<2x64x4096xf32, #tpu.memory_space<vmem>>) attributes {dimension_semantics = [#tpu.dimension_semantics<arbitrary>], iteration_bounds = array<i64: 25>, scalar_prefetch = 0 : i64, scratch_operands = 0 : i64, tpu.core_type = #tpu.core_type<tc>, window_params = [{}, {transform_indices = @transform_1, window_bounds = array<i64: 1, 4096, 128>}, {transform_indices = @transform_2, window_bounds = array<i64: 2, 64, 4096>}]} {
    %get3A = arith.constant 0 : index
    %get3A_0 = arith.constant 0 : index
    %get3A_1 = arith.constant 0 : index
    %get3A_2 = vector.load %arg2[%get3A, %get3A_0, %get3A_1] : memref<1x4096x128xf32, #tpu.memory_space<vmem>>, vector<1x4096x128xf32>
    %get3A_3 = vector.shape_cast %get3A_2 : vector<1x4096x128xf32> to vector<4096x128xf32>
    %slice3A = vector.extract_strided_slice %get3A_3 {offsets = [0, 0], sizes = [4096, 64], strides = [1, 1]} : vector<4096x128xf32> to vector<4096x64xf32>
    %transpose3A = tpu.transpose %slice3A, [1, 0] : vector<4096x64xf32> -> vector<64x4096xf32>
    %swap3A = arith.constant 0 : index
    %swap3A_4 = arith.constant 0 : index
    %swap3A_5 = arith.constant 0 : index
    %swap3A_6 = vector.load %arg3[%swap3A, %swap3A_4, %swap3A_5] : memref<2x64x4096xf32, #tpu.memory_space<vmem>>, vector<1x64x4096xf32>
    %swap3A_7 = vector.shape_cast %swap3A_6 : vector<1x64x4096xf32> to vector<64x4096xf32>
    %swap3A_8 = vector.shape_cast %transpose3A : vector<64x4096xf32> to vector<1x64x4096xf32>
    tpu.vector_store %arg3[%swap3A, %swap3A_4, %swap3A_5], %swap3A_8 {strides = array<i32>} : memref<2x64x4096xf32, #tpu.memory_space<vmem>>, vector<1x64x4096xf32>,
    %slice3A_9 = vector.extract_strided_slice %get3A_3 {offsets = [0, 64], sizes = [4096, 64], strides = [1, 1]} : vector<4096x128xf32> to vector<4096x64xf32>
    %transpose3A_10 = tpu.transpose %slice3A_9, [1, 0] : vector<4096x64xf32> -> vector<64x4096xf32>
    %swap3A_11 = arith.constant 1 : index
    %swap3A_12 = arith.constant 0 : index
    %swap3A_13 = arith.constant 0 : index
    %swap3A_14 = vector.load %arg3[%swap3A_11, %swap3A_12, %swap3A_13] : memref<2x64x4096xf32, #tpu.memory_space<vmem>>, vector<1x64x4096xf32>
    %swap3A_15 = vector.shape_cast %swap3A_14 : vector<1x64x4096xf32> to vector<64x4096xf32>
    %swap3A_16 = vector.shape_cast %transpose3A_10 : vector<64x4096xf32> to vector<1x64x4096xf32>
    tpu.vector_store %arg3[%swap3A_11, %swap3A_12, %swap3A_13], %swap3A_16 {strides = array<i32>} : memref<2x64x4096xf32, #tpu.memory_space<vmem>>, vector<1x64x4096xf32>,
    return
  }
  func.func @transform_1(%arg0: i32) -> (i32, i32, i32) {
    %c0_i32 = arith.constant 0 : i32
    %c0_i32_0 = arith.constant 0 : i32
    %c0_i32_1 = arith.constant 0 : i32
    return %arg0, %c0_i32, %c0_i32_0 : i32, i32, i32
  }
  func.func @transform_2(%arg0: i32) -> (i32, i32, i32) {
    %add3A = arith.constant 50 : i32
    %add3A_0 = arith.addi %add3A, %arg0 : i32
    %c0_i32 = arith.constant 0 : i32
    %c0_i32_1 = arith.constant 0 : i32
    %c0_i32_2 = arith.constant 0 : i32
    return %add3A_0, %c0_i32, %c0_i32_1 : i32, i32, i32
  }
}

module attributes {stable_mosaic.version = 14 : i64} {
  func.func @_xpose_body_acc(%arg0: i32, %arg1: memref<200x64x4096xf32, #tpu.memory_space<any>>, %arg2: memref<1x4096x128xf32, #tpu.memory_space<vmem>>, %arg3: memref<2x64x4096xf32, #tpu.memory_space<vmem>>) attributes {dimension_semantics = [#tpu.dimension_semantics<arbitrary>], iteration_bounds = array<i64: 25>, scalar_prefetch = 0 : i64, scratch_operands = 0 : i64, tpu.core_type = #tpu.core_type<tc>, window_params = [{}, {transform_indices = @transform_1, window_bounds = array<i64: 1, 4096, 128>}, {transform_indices = @transform_2, window_bounds = array<i64: 2, 64, 4096>}]} {
    %get3A = arith.constant 0 : index
    %get3A_0 = arith.constant 0 : index
    %get3A_1 = arith.constant 0 : index
    %get3A_2 = vector.load %arg2[%get3A, %get3A_0, %get3A_1] : memref<1x4096x128xf32, #tpu.memory_space<vmem>>, vector<1x4096x128xf32>
    %get3A_3 = vector.shape_cast %get3A_2 : vector<1x4096x128xf32> to vector<4096x128xf32>
    %slice3A = vector.extract_strided_slice %get3A_3 {offsets = [0, 0], sizes = [4096, 64], strides = [1, 1]} : vector<4096x128xf32> to vector<4096x64xf32>
    %transpose3A = tpu.transpose %slice3A, [1, 0] : vector<4096x64xf32> -> vector<64x4096xf32>
    %swap3A = arith.constant 0 : index
    %swap3A_4 = arith.constant 0 : index
    %swap3A_5 = arith.constant 0 : index
    %swap3A_6 = vector.load %arg3[%swap3A, %swap3A_4, %swap3A_5] : memref<2x64x4096xf32, #tpu.memory_space<vmem>>, vector<1x64x4096xf32>
    %swap3A_7 = vector.shape_cast %swap3A_6 : vector<1x64x4096xf32> to vector<64x4096xf32>
    %swap3A_8 = vector.shape_cast %transpose3A : vector<64x4096xf32> to vector<1x64x4096xf32>
    tpu.vector_store %arg3[%swap3A, %swap3A_4, %swap3A_5], %swap3A_8 {strides = array<i32>} : memref<2x64x4096xf32, #tpu.memory_space<vmem>>, vector<1x64x4096xf32>,
    %slice3A_9 = vector.extract_strided_slice %get3A_3 {offsets = [0, 64], sizes = [4096, 64], strides = [1, 1]} : vector<4096x128xf32> to vector<4096x64xf32>
    %transpose3A_10 = tpu.transpose %slice3A_9, [1, 0] : vector<4096x64xf32> -> vector<64x4096xf32>
    %swap3A_11 = arith.constant 1 : index
    %swap3A_12 = arith.constant 0 : index
    %swap3A_13 = arith.constant 0 : index
    %swap3A_14 = vector.load %arg3[%swap3A_11, %swap3A_12, %swap3A_13] : memref<2x64x4096xf32, #tpu.memory_space<vmem>>, vector<1x64x4096xf32>
    %swap3A_15 = vector.shape_cast %swap3A_14 : vector<1x64x4096xf32> to vector<64x4096xf32>
    %swap3A_16 = vector.shape_cast %transpose3A_10 : vector<64x4096xf32> to vector<1x64x4096xf32>
    tpu.vector_store %arg3[%swap3A_11, %swap3A_12, %swap3A_13], %swap3A_16 {strides = array<i32>} : memref<2x64x4096xf32, #tpu.memory_space<vmem>>, vector<1x64x4096xf32>,
    return
  }
  func.func @transform_1(%arg0: i32) -> (i32, i32, i32) {
    %c0_i32 = arith.constant 0 : i32
    %c0_i32_0 = arith.constant 0 : i32
    %c0_i32_1 = arith.constant 0 : i32
    return %arg0, %c0_i32, %c0_i32_0 : i32, i32, i32
  }
  func.func @transform_2(%arg0: i32) -> (i32, i32, i32) {
    %add3A = arith.constant 25 : i32
    %add3A_0 = arith.addi %add3A, %arg0 : i32
    %c0_i32 = arith.constant 0 : i32
    %c0_i32_1 = arith.constant 0 : i32
    %c0_i32_2 = arith.constant 0 : i32
    return %add3A_0, %c0_i32, %c0_i32_1 : i32, i32, i32
  }
}

module attributes {stable_mosaic.version = 14 : i64} {
  func.func @_xpose_body_acc(%arg0: i32, %arg1: memref<200x64x4096xf32, #tpu.memory_space<any>>, %arg2: memref<1x4096x128xf32, #tpu.memory_space<vmem>>, %arg3: memref<2x64x4096xf32, #tpu.memory_space<vmem>>) attributes {dimension_semantics = [#tpu.dimension_semantics<arbitrary>], iteration_bounds = array<i64: 25>, scalar_prefetch = 0 : i64, scratch_operands = 0 : i64, tpu.core_type = #tpu.core_type<tc>, window_params = [{}, {transform_indices = @transform_1, window_bounds = array<i64: 1, 4096, 128>}, {transform_indices = @transform_2, window_bounds = array<i64: 2, 64, 4096>}]} {
    %get3A = arith.constant 0 : index
    %get3A_0 = arith.constant 0 : index
    %get3A_1 = arith.constant 0 : index
    %get3A_2 = vector.load %arg2[%get3A, %get3A_0, %get3A_1] : memref<1x4096x128xf32, #tpu.memory_space<vmem>>, vector<1x4096x128xf32>
    %get3A_3 = vector.shape_cast %get3A_2 : vector<1x4096x128xf32> to vector<4096x128xf32>
    %slice3A = vector.extract_strided_slice %get3A_3 {offsets = [0, 0], sizes = [4096, 64], strides = [1, 1]} : vector<4096x128xf32> to vector<4096x64xf32>
    %transpose3A = tpu.transpose %slice3A, [1, 0] : vector<4096x64xf32> -> vector<64x4096xf32>
    %swap3A = arith.constant 0 : index
    %swap3A_4 = arith.constant 0 : index
    %swap3A_5 = arith.constant 0 : index
    %swap3A_6 = vector.load %arg3[%swap3A, %swap3A_4, %swap3A_5] : memref<2x64x4096xf32, #tpu.memory_space<vmem>>, vector<1x64x4096xf32>
    %swap3A_7 = vector.shape_cast %swap3A_6 : vector<1x64x4096xf32> to vector<64x4096xf32>
    %swap3A_8 = vector.shape_cast %transpose3A : vector<64x4096xf32> to vector<1x64x4096xf32>
    tpu.vector_store %arg3[%swap3A, %swap3A_4, %swap3A_5], %swap3A_8 {strides = array<i32>} : memref<2x64x4096xf32, #tpu.memory_space<vmem>>, vector<1x64x4096xf32>,
    %slice3A_9 = vector.extract_strided_slice %get3A_3 {offsets = [0, 64], sizes = [4096, 64], strides = [1, 1]} : vector<4096x128xf32> to vector<4096x64xf32>
    %transpose3A_10 = tpu.transpose %slice3A_9, [1, 0] : vector<4096x64xf32> -> vector<64x4096xf32>
    %swap3A_11 = arith.constant 1 : index
    %swap3A_12 = arith.constant 0 : index
    %swap3A_13 = arith.constant 0 : index
    %swap3A_14 = vector.load %arg3[%swap3A_11, %swap3A_12, %swap3A_13] : memref<2x64x4096xf32, #tpu.memory_space<vmem>>, vector<1x64x4096xf32>
    %swap3A_15 = vector.shape_cast %swap3A_14 : vector<1x64x4096xf32> to vector<64x4096xf32>
    %swap3A_16 = vector.shape_cast %transpose3A_10 : vector<64x4096xf32> to vector<1x64x4096xf32>
    tpu.vector_store %arg3[%swap3A_11, %swap3A_12, %swap3A_13], %swap3A_16 {strides = array<i32>} : memref<2x64x4096xf32, #tpu.memory_space<vmem>>, vector<1x64x4096xf32>,
    return
  }
  func.func @transform_1(%arg0: i32) -> (i32, i32, i32) {
    %c0_i32 = arith.constant 0 : i32
    %c0_i32_0 = arith.constant 0 : i32
    %c0_i32_1 = arith.constant 0 : i32
    return %arg0, %c0_i32, %c0_i32_0 : i32, i32, i32
  }
  func.func @transform_2(%arg0: i32) -> (i32, i32, i32) {
    %add3A = arith.constant 75 : i32
    %add3A_0 = arith.addi %add3A, %arg0 : i32
    %c0_i32 = arith.constant 0 : i32
    %c0_i32_1 = arith.constant 0 : i32
    %c0_i32_2 = arith.constant 0 : i32
    return %add3A_0, %c0_i32, %c0_i32_1 : i32, i32, i32
  }
}

</mosaic_0001>

<sc_bundles>
// kernel: kernel.11.cloned.1.call-start
scs
__scs_entry_jumppad:
0x0: {  	(pc) =	sbr.rel $0x88, $3  }
0x1: {  	(tag) =	ssettag $0x0;
	lr =	simm.s32 $0x1  }
0x2: {  	[smem:$0x3F9D] =	sst lr;
	_ =	strace $0xD0000000  }
0x3: {  	_ = 	snop  }
0x4: {  	_ = 	snop  }
0x5: {  	_ = 	snop  }
0x6: {  	_ = 	snop  }
0x7: {  	_ = 	snop  }
__scs_overlays_trampoline_lowered:
0x8: {  	[smem:$0x3FAC] =	sst s0  }
0x9: {  	[smem:$0x3FAD] =	sst s1  }
0xa: {  	[smem:$0x3FAE] =	sst s2  }
0xb: {  	[smem:$0x3FAF] =	sst s3  }
0xc: {  	[smem:$0x3FB0] =	sst s4  }
0xd: {  	[smem:$0x3FB1] =	sst s5  }
0xe: {  	[smem:$0x3FB2] =	sst s6  }
0xf: {  	[smem:$0x3FB3] =	sst s7  }
0x10: {  	[smem:$0x3FB4] =	sst s8  }
0x11: {  	[smem:$0x3FB5] =	sst s9;
	s0 =	simm.s32 @!p0 $0x0  }
0x12: {  	s1 =	sld [smem:$0x3F9B];
	s0 =	simm.s32 @p0 $0x1  }
0x13: {  	[smem:$0x3FB6] =	sst s0;
	s0 =	simm.s32 @!p1 $0x0  }
0x14: {  	s2 =	sld [smem:$0x3F9A];
	s0 =	simm.s32 @p1 $0x1  }
0x15: {  	[smem:$0x3FB7] =	sst s0;
	s0 =	simm.s32 @!p2 $0x0  }
0x16: {  	s3 =	sld [smem:$0x3FDB];
	s0 =	simm.s32 @p2 $0x1  }
0x17: {  	s4 =	simm.s32 $0x1BF5;
	[smem:$0x3FB9] =	sst s0  }
0x18: {  	s0 =	sld [smem:$0x3F9C];
	_ =	swait.ge [sflag:s4], $0x0  }
0x19: {  	s7 =	sld [smem:$0x3F9D]  }
0x1a: {  	s8 =	sadd.s32 $0xFFFFE003, lr  }
0x1b: {  	s9 =	sadd.s32 $0xFFFFFEF7, lr;
	s5 =	simm.s32 $0xFFFFFFFF;
	p2 =	slt.u32 s8, $0xFFFFF086  }
0x1c: {  	p1 =	slt.u32 s9, $0xF7A;
	s5 =	simm.s32 @!p2 $0x0  }
0x1d: {  	s5 =	simm.s32 @p1 $0x1;
	p0 =	seq.s32 s7, s2  }
0x1e: {  	s7 =	smul.u32 @!p0 $0xF7A, s2;
	p2 =	seq.s32 @!p0 s5, $0x0  }
0x1f: {  	s9 =	smul.u32 $0xF7A, s1;
	s8 =	simm.s32 @!p0 $0x1BF5;
	p2 =	por !p2, p0  }
0x20: {  	[sflag:s8] =	ssyncset.s32 @!p0 $0xFFFFF086;
	s6 =	sadd.s32 @!p0 s3, s7;
	s7 =	simm.s32 @!p0 $0x108  }
0x21: {  	s3 =	sadd.s32 s3, s9;
	s6 =	sadd.s32 @!p0 $0x88, s6;
	s7 =	simm.s32 @p2 $0x1082  }
0x22: {  	[simem:s7], [sflag:s8] =	dma.local @!p0 [hbm:s6], $0xF7A  }
0x23: {  	s9 =	sor.u32 $0xD0000000, s2;
	s6 =	simm.s32 $0x108;
	_ =	swait.ge @!p0 [sflag:s8], $0x0  }
0x24: {  	s3 =	sadd.s32 $0x88, s3;
	s6 =	simm.s32 @!p1 $0x1082;
	[sflag:s4] =	ssyncset.s32 $0xFFFFF086  }
0x25: {  	[simem:s6], [sflag:s4] =	dma.local [hbm:s3], $0xF7A  }
0x26: {  	[smem:$0x3F9D] =	sst s1;
	(tag) =	ssettag s2;
	_ =	strace s9  }
0x27: {  	s1 =	sld [smem:$0x3FAD]  }
0x28: {  	s2 =	sld [smem:$0x3FAE]  }
0x29: {  	s4 =	sld [smem:$0x3FB0]  }
0x2a: {  	p0 =	seq.s32 s5, $0x0;
	s5 =	sld [smem:$0x3FB1]  }
0x2b: {  	s6 =	sld [smem:$0x3FB2]  }
0x2c: {  	s7 =	sld [smem:$0x3FB3]  }
0x2d: {  	s3 =	simm.s32 $0x108;
	s8 =	sld [smem:$0x3FB4]  }
0x2e: {  	s3 =	simm.s32 @!p0 $0x1082;
	s9 =	sld [smem:$0x3FB5]  }
0x2f: {  	lr =	sadd.s32 s0, s3;
	s0 =	sld [smem:$0x3FAC]  }
0x30: {  	s3 =	sld [smem:$0x3FAF]  }
0x31: {  	[smem:$0x3FB8] =	sst s10  }
0x32: {  	s10 =	sld [smem:$0x3FB6];
	_ =	sdelay $0x3  }
0x33: {  	p0 =	seq.s32 s10, $0x1;
	s10 =	sld [smem:$0x3FB8];
	_ =	sdelay $0x3  }
0x34: {  	[smem:$0x3FB8] =	sst s10  }
0x35: {  	s10 =	sld [smem:$0x3FB7];
	_ =	sdelay $0x3  }
0x36: {  	p1 =	seq.s32 s10, $0x1;
	s10 =	sld [smem:$0x3FB8];
	_ =	sdelay $0x3  }
0x37: {  	[smem:$0x3FB8] =	sst s10  }
0x38: {  	s10 =	sld [smem:$0x3FB9]  }
0x39: {  	_ = 	snop;
	(pc) =	sbr.ind lr, $3  }
0x3a: {  	_ = 	snop  }
0x3b: {  	_ = 	snop  }
0x3c: {  	p2 =	seq.s32 s10, $0x1;
	s10 =	sld [smem:$0x3FB8]  }
0x3d: {  	_ =	shalt  }
0x3e: {  	_ =	shalt  }
0x3f: {  	_ =	shalt  }
0x40: {  	_ =	shalt  }
0x41: {  	_ =	shalt  }
0x42: {  	_ =	shalt  }
0x43: {  	_ =	shalt  }
0x44: {  	_ =	shalt  }
0x45: {  	_ =	shalt  }
0x46: {  	_ =	shalt  }
0x47: {  	_ =	shalt  }
0x48: {  	_ =	shalt  }
0x49: {  	_ =	shalt  }
0x4a: {  	_ =	shalt  }
0x4b: {  	_ =	shalt  }
0x4c: {  	_ =	shalt  }
0x4d: {  	_ =	shalt  }
0x4e: {  	_ =	shalt  }
0x4f: {  	_ =	shalt  }
0x50: {  	_ =	shalt  }
0x51: {  	_ =	shalt  }
0x52: {  	_ =	shalt  }
0x53: {  	_ =	shalt  }
0x54: {  	_ =	shalt  }
0x55: {  	_ =	shalt  }
0x56: {  	_ =	shalt  }
0x57: {  	_ =	shalt  }
0x58: {  	_ =	shalt  }
0x59: {  	_ =	shalt  }
0x5a: {  	_ =	shalt  }
0x5b: {  	_ =	shalt  }
0x5c: {  	_ =	shalt  }
0x5d: {  	_ =	shalt  }
0x5e: {  	_ =	shalt  }
0x5f: {  	_ =	shalt  }
0x60: {  	_ =	shalt  }
0x61: {  	_ =	shalt  }
0x62: {  	_ =	shalt  }
0x63: {  	_ =	shalt  }
0x64: {  	_ =	shalt  }
0x65: {  	_ =	shalt  }
0x66: {  	_ =	shalt  }
0x67: {  	_ =	shalt  }
0x68: {  	_ =	shalt  }
0x69: {  	_ =	shalt  }
0x6a: {  	_ =	shalt  }
0x6b: {  	_ =	shalt  }
0x6c: {  	_ =	shalt  }
0x6d: {  	_ =	shalt  }
0x6e: {  	_ =	shalt  }
0x6f: {  	_ =	shalt  }
0x70: {  	_ =	shalt  }
0x71: {  	_ =	shalt  }
0x72: {  	_ =	shalt  }
0x73: {  	_ =	shalt  }
0x74: {  	_ =	shalt  }
0x75: {  	_ =	shalt  }
0x76: {  	_ =	shalt  }
0x77: {  	_ =	shalt  }
0x78: {  	_ =	shalt  }
0x79: {  	_ =	shalt  }
0x7a: {  	_ =	shalt  }
0x7b: {  	_ =	shalt  }
0x7c: {  	_ =	shalt  }
0x7d: {  	_ =	shalt  }
0x7e: {  	_ =	shalt  }
0x7f: {  	_ =	shalt  }
0x80: {  	_ =	shalt  }
0x81: {  	_ =	shalt  }
0x82: {  	_ =	shalt  }
0x83: {  	_ =	shalt  }
0x84: {  	_ =	shalt  }
0x85: {  	_ =	shalt  }
0x86: {  	_ =	shalt  }
0x87: {  	_ =	shalt  }
.Lfunc_end0:
.L_simem_size_0:
called_computation_lowered:
.L_overlay_start_0:
0x88: {  	s2 =	sld [smem:$0x3FD9]  }
0x89: {  	s3 =	sld [smem:$0x3FFE];
	_ =	sdelay $0x1  }
0x8a: {  	s1 =	srdreg.scid  }
0x8b: {  	s0 =	sand.u32 $0x1, s1  }
0x8c: {  	s16 =	sshll.u32 s0, $0xA;
	s2 =	sadd.s32 s3, s2  }
0x8d: {  	s2 =	sadd.s32 s2, s16  }
0x8e: {  	[smem:$0x3FC4] =	sst s2  }
0x8f: {  	_ = 	snop  }
0x90: {  	(tm) =	ssettm $0x1  }
0x91: {  	s17 =	sld [smem:$0x3FFB];
	_ =	sdelay $0x3  }
0x92: {  	_ =	strace s17  }
0x93: {  	s2 =	sld [smem:$0x3FFC];
	_ =	sdelay $0x3  }
0x94: {  	_ =	strace s2  }
0x95: {  	s2 =	sld [smem:$0x3FFD];
	_ =	sdelay $0x3  }
0x96: {  	_ =	strace s2  }
0x97: {  	_ =	strace $0x8FFFFFFF  }
0x98: {  	s18 =	sld [smem:$0x3FDB];
	_ =	sdelay $0x1  }
0x99: {  	s19 =	simm.s32 $_scs_section_size  }
0x9a: {  	s4 =	simm.s32 $_size__tile_overlayer_lowered;
	s5 =	simm.s32 $_tile_overlayer_lowered  }
0x9b: {  	s22 =	simm.s32 $0x1BFF;
	s21 =	sshll.u32 s5, $0x1;
	s2 =	sadd.s32 s19, s18  }
0x9c: {  	s6 =	simm.s32 $0x0;
	s20 =	sshll.u32 s4, $0x1;
	s4 =	sadd.s32 s21, s2  }
0x9d: {  	[timem:s6], [sflag:s22] =	dma.local [hbm:s4], s20  }
0x9e: {  	_ =	swait.ge [sflag:s22], s20  }
0x9f: {  	s3 =	ssub.s32 $0x0, s20;
	[sflag:s22] =	ssyncset.done $0x0  }
0xa0: {  	[sflag:s22] =	ssyncadd.s32 s3;
	_ =	sdelay $0x1  }
0xa1: {  	s23 =	simm.s32 $0x1B8B  }
0xa2: {  	_ =	swait.ge [sflag:s23], $0x1  }
0xa3: {  	[sflag:s23] =	ssyncset.done $0x0  }
0xa4: {  	s25 =	simm.s32 $0x1B8E;
	s24 =	sld [smem:$0x3FFE];
	[sflag:s23] =	ssyncadd.s32 $0xFFFFFFFF  }
0xa5: {  	s26 =	simm.s32 $execute0_lowered;
	[smem:$0x3FD2] =	sst s25  }
0xa6: {  	s4 =	sshll.u32 s26, $0x1;
	_ =	strace $0x80000046;
	[dreg:$0x1] =	wrdreg $0xFFFFFFFF  }
0xa7: {  	s28 =	simm.s32 $_size_execute0_lowered;
	s2 =	sadd.s32 s2, s4;
	[dreg:$0x0] =	wrdreg $0x0  }
0xa8: {  	s4 =	sshll.u32 s28, $0x1;
	[dreg:$0x2] =	wrdreg s2  }
0xa9: {  	[dreg:$0x3] =	wrdreg s4  }
0xaa: {  	[dreg:$0x4] =	wrdreg $0xC0  }
0xab: {  	_ =	task [dreg:s6], $0x5FFFF  }
0xac: {  	[dreg:$0x1] =	wrdreg $0xFFFFFFFF  }
0xad: {  	[dreg:$0x0] =	wrdreg $0x60  }
0xae: {  	[dreg:$0x2] =	wrdreg s24  }
0xaf: {  	[dreg:$0x3] =	wrdreg $0x9  }
0xb0: {  	_ =	task.clear_ibuf [dreg:s6], $0x4FFFF;
	_ =	strace $0x90000046  }
0xb1: {  	s29 =	simm.s32 $0x9;
	_ =	strace $0x80000048  }
0xb2: {  	_ =	swait.ge [sflag:s29], $0x1  }
0xb3: {  	[sflag:s29] =	ssyncadd.s32 $0xFFFFFFFF  }
0xb4: {  	_ =	strace $0x90000048  }
0xb5: {  	_ =	sfence  }
0xb6: {  	s30 =	sld [smem:$0x0];
	_ =	sdelay $0x2  }
0xb7: {  	s31 =	sshll.u32 s1, $0xD;
	s1 =	sshrl.u32 s1, $0x2  }
0xb8: {  	s3 =	sand.u32 $0x4000, s31;
	s1 =	sadd.s32 s1, s30  }
0xb9: {  	s0 =	sor.u32 s3, s0;
	s1 =	sshll.u32 s1, $0x11  }
0xba: {  	s0 =	sor.u32 s1, s0  }
0xbb: {  	s0 =	sadd.s32 $0x8F2B, s0  }
0xbc: {  	[sflag:s0] =	ssyncadd.remote.s32 $0x1  }
0xbd: {  	_ =	sfence.sel $0xFFFF  }
0xbe: {  	[dreg:$0x0] =	wrdreg $0xFFFFFFFF;
	(pc) =	sbr.abs _section_cstart, $3  }
0xbf: {  	[dreg:$0x1] =	wrdreg $0xFFFFFFFF  }
0xc0: {  	_ =	task.clear_ibuf [dreg:s6], $0x2FFFF;
	_ =	strace $0x9FFFFFFF  }
0xc1: {  	(tm) =	ssettm $0x7FFFFFFF  }
tec
execute0_lowered:
.L_overlay_start_1:
0x0: {  	(tag) =	ssettag $0x1  }
0x1: {  	s4 =	rddreg [dreg:$0x0]  }
0x2: {  	s0 =	rddreg [dreg:$0x1]  }
0x3: {  	s3 =	srdreg.scid;
	s2 =	simm.s32 $0x0;
	s1 =	stileid.u32  }
0x4: {  	s10 =	simm.s32 $0x1900;
	s11 =	simm.s32 $0x3900;
	s12 =	simm.s32 $0x1  }
0x5: {  	s13 =	simm.s32 $0x40;
	s14 =	simm.s32 $0x0;
	s5 =	sand.u32 $0x1, s3  }
0x6: {  	[smem:$0x7FF] =	sst s2;
	s29 =	sshll.u32 s1, $0x8;
	s3 =	sadd.s32 $0x16000, s4  }
0x7: {  	s8 =	sshll.u32 s1, $0xC;
	s6 =	sshll.u32 s5, $0x7;
	_ =	strace $0x80000047  }
0x8: {  	s7 =	ssub.s32 $0x2, s5;
	s8 =	sadd.s32 s8, s4;
	s30 =	sshll.u32 s5, $0xB  }
0x9: {  	s6 =	sor.u32 s6, s29;
	s9 =	sshrl.u32 s7, $0x1;
	s31 =	sadd.s32 s30, s8  }
0xa: {  	s8 =	simm.s32 $0x1000;
	s6 =	sshrl.u32 s6, $0x3;
	s7 =	ssub.s32 s7, s9  }
0xb: {  	s9 =	simm.s32 $0x2;
	s6 =	sadd.s32 s6, s4;
	s5 =	smax.u32 s7, $0x1  }
0xc: {  	s7 =	simm.s32 $0x80;
	s4 =	sadd.s32 $0xFC00, s6;
	s6 =	sadd.s32 $0xF58400, s31  }
.LBB2_1:
0xd: {  	[tilespmem:s2], [sflag:$0x2] =	stream.strided.gather [hbm4b:s4+s7], $0x1900, s8, s7, $0x38;
	[tilespmem:$0x5900] =	vst v63  }
0xe: {  	_ =	swait.ge [sflag:s9], $0x1900  }
0xf: {  	[sflag:s9] =	ssyncset.done $0x0  }
0x10: {  	s15 =	simm.s32 $0x0;
	[sflag:s9] =	ssyncadd.s32 $0xFFFFE700  }
0x11: {  	[tilespmem:s10], [sflag:$0x1] =	stream.indirect.gather [hbm4b:s3+s7], $0x40, s15, s7, $0xb8;
	[tilespmem:$0x5900] =	vst v63  }
0x12: {  	s30 =	simm.s32 $0x80  }
0x13: {  	[tilespmem:s11], [sflag:$0x1] =	stream.indirect.gather [hbm4b:s3+s7], $0x40, s30, s7, $0xb8;
	[tilespmem:$0x5900] =	vst v63  }
0x14: {  	_ =	swait.ge [sflag:s12], $0x2000  }
0x15: {  	[sflag:s12] =	ssyncset.done $0x0  }
0x16: {  	[sflag:s12] =	ssyncadd.s32 $0xFFFFE000  }
0x17: {  	[hbm4b:s6+s13] =	stream.strided.scatter [tilespmem:s10], [sflag:$0x2], $0x2000, s7, s13, $0x38;
	[tilespmem:$0x5900] =	vst v63  }
0x18: {  	_ =	swait.ge [sflag:s9], $0x2000  }
0x19: {  	[sflag:s9] =	ssyncset.done $0x0  }
0x1a: {  	[sflag:s9] =	ssyncadd.s32 $0xFFFFE000  }
0x1b: {  	_ =	swait.ge [sflag:s12], $0x2000  }
0x1c: {  	[sflag:s12] =	ssyncset.done $0x0  }
0x1d: {  	s31 =	sadd.s32 $0x8, s6;
	[sflag:s12] =	ssyncadd.s32 $0xFFFFE000  }
0x1e: {  	[hbm4b:s31+s13] =	stream.strided.scatter [tilespmem:s11], [sflag:$0x2], $0x2000, s7, s13, $0x38;
	[tilespmem:$0x5900] =	vst v63  }
0x1f: {  	s16 =	simm.s32 $0x400;
	_ =	swait.ge [sflag:s9], $0x2000  }
0x20: {  	s17 =	simm.s32 $0x800;
	s15 =	sadd.s32 $0x10000, s6;
	[sflag:s9] =	ssyncset.done $0x0  }
.LBB2_2:
0x21: {  	s18 =	sshra.s32 s16, $0x2  }
0x22: {  	[sflag:s9] =	ssyncadd.s32 $0xFFFFE000;
	s16 =	smov.u32 s17;
	s19 =	sadd.s32 $0x400, s17  }
0x23: {  	[tilespmem:s10], [sflag:$0x1] =	stream.indirect.gather [hbm4b:s3+s7], $0x40, s18, s7, $0xb8;
	[tilespmem:$0x5900] =	vst v63  }
0x24: {  	p0 =	sne.s32 s17, $0x6000;
	s17 =	sadd.s32 $0x80, s18  }
0x25: {  	[tilespmem:s11], [sflag:$0x1] =	stream.indirect.gather [hbm4b:s3+s7], $0x40, s17, s7, $0xb8;
	[tilespmem:$0x5900] =	vst v63  }
0x26: {  	_ =	swait.ge [sflag:s12], $0x2000  }
0x27: {  	[sflag:s12] =	ssyncset.done $0x0  }
0x28: {  	[sflag:s12] =	ssyncadd.s32 $0xFFFFE000  }
0x29: {  	[hbm4b:s15+s13] =	stream.strided.scatter [tilespmem:s10], [sflag:$0x2], $0x2000, s7, s13, $0x38;
	[tilespmem:$0x5900] =	vst v63  }
0x2a: {  	_ =	swait.ge [sflag:s9], $0x2000  }
0x2b: {  	[sflag:s9] =	ssyncset.done $0x0  }
0x2c: {  	[sflag:s9] =	ssyncadd.s32 $0xFFFFE000  }
0x2d: {  	_ =	swait.ge [sflag:s12], $0x2000  }
.Ltmp0:
0x2e: {  	[sflag:s12] =	ssyncset.done $0x0;
	(pc) =	sbr.rel @p0 .LBB2_2-.Ltmp0, $4  }
0x2f: {  	s17 =	sadd.s32 $0x8, s15;
	[sflag:s12] =	ssyncadd.s32 $0xFFFFE000  }
0x30: {  	[hbm4b:s17+s13] =	stream.strided.scatter [tilespmem:s11], [sflag:$0x2], $0x2000, s7, s13, $0x38;
	[tilespmem:$0x5900] =	vst v63  }
0x31: {  	_ =	swait.ge [sflag:s9], $0x2000  }
0x32: {  	s15 =	sadd.s32 $0x10000, s15;
	s17 =	smov.u32 s19;
	[sflag:s9] =	ssyncset.done $0x0  }
0x33: {  	s16 =	sshra.s32 s16, $0x2;
	[sflag:s9] =	ssyncadd.s32 $0xFFFFE000  }
0x34: {  	[tilespmem:s10], [sflag:$0x1] =	stream.indirect.gather [hbm4b:s3+s7], $0x40, s16, s7, $0xb8;
	[tilespmem:$0x5900] =	vst v63  }
0x35: {  	s16 =	sadd.s32 $0x80, s16  }
0x36: {  	[tilespmem:s11], [sflag:$0x1] =	stream.indirect.gather [hbm4b:s3+s7], $0x40, s16, s7, $0xb8;
	[tilespmem:$0x5900] =	vst v63  }
0x37: {  	_ =	swait.ge [sflag:s12], $0x2000  }
0x38: {  	[sflag:s12] =	ssyncset.done $0x0  }
0x39: {  	[sflag:s12] =	ssyncadd.s32 $0xFFFFE000  }
0x3a: {  	[hbm4b:s15+s13] =	stream.strided.scatter [tilespmem:s10], [sflag:$0x2], $0x2000, s7, s13, $0x38;
	[tilespmem:$0x5900] =	vst v63  }
0x3b: {  	_ =	swait.ge [sflag:s9], $0x2000  }
0x3c: {  	[sflag:s9] =	ssyncset.done $0x0  }
0x3d: {  	[sflag:s9] =	ssyncadd.s32 $0xFFFFE000  }
0x3e: {  	s14 =	sadd.s32 $0x1, s14;
	_ =	swait.ge [sflag:s12], $0x2000  }
0x3f: {  	p0 =	sne.s32 s14, s5;
	[sflag:s12] =	ssyncset.done $0x0  }
.Ltmp1:
0x40: {  	s31 =	sadd.s32 $0x8, s15;
	[sflag:s12] =	ssyncadd.s32 $0xFFFFE000;
	(pc) =	sbr.rel @p0 .LBB2_1-.Ltmp1, $4  }
0x41: {  	[hbm4b:s31+s13] =	stream.strided.scatter [tilespmem:s11], [sflag:$0x2], $0x2000, s7, s13, $0x38;
	[tilespmem:$0x5900] =	vst v63  }
0x42: {  	_ =	swait.ge [sflag:s9], $0x2000  }
0x43: {  	[sflag:s9] =	ssyncset.done $0x0  }
0x44: {  	[sflag:s9] =	ssyncadd.s32 $0xFFFFE000  }
0x45: {  	_ =	sfence.sel $0x180000  }
0x46: {  	[bflag:$0x0] =	sbarrier.arrive $0xFFFF  }
0x47: {  	p0 =	sne.s32 s1, $0x0;
	_ =	strace $0x90000047  }
0x48: {  	s0 =	sadd.s32 @!p0 $0x100000, s0;
	[bflag:$0x2] =	sbarrier.arrive $0xFFFF  }
0x49: {  	[sflag:s0] =	ssyncadd.tile.s32 @!p0 $0x1;
	_ =	shalt  }
.Lfunc_end2:
_tile_overlayer_lowered:
.L_overlay_start_2:
0x4a: {  	(tag) =	ssettag $0x2  }
0x4b: {  	s0 =	rddreg [dreg:$0x0];
	s2 =	stileid.u32  }
0x4c: {  	s1 =	rddreg [dreg:$0x1];
	p0 =	sne.s32 s2, $0x0  }
0x4d: {  	s3 =	rddreg [dreg:$0x2];
	[bflag:$0x3] =	sbarrier.arrive $0xFFFF;
	s2 =	simm.s32 @!p0 $0x1C02  }
0x4e: {  	[timem:s3], [sflag:s2] =	dma.local @!p0 [hbm:s0], s1  }
0x4f: {  	s0 =	simm.s32 @!p0 $0x2  }
0x50: {  	_ =	swait.ge @!p0 [sflag:s0], s1  }
0x51: {  	s1 =	ssub.s32 @!p0 $0x0, s1;
	[sflag:s0] =	ssyncset.done @!p0 $0x0  }
0x52: {  	[sflag:s0] =	ssyncadd.s32 @!p0 s1  }
0x53: {  	[bflag:$0x3] =	sbarrier.arrive $0xFFFF  }
0x54: {  	_ =	shalt  }

// kernel: kernel.14.cloned.1.call-start
scs
__scs_entry_jumppad:
0x0: {  	(pc) =	sbr.rel $0x88, $3  }
0x1: {  	(tag) =	ssettag $0x0;
	lr =	simm.s32 $0x1  }
0x2: {  	[smem:$0x3F9D] =	sst lr;
	_ =	strace $0xD0000000  }
0x3: {  	_ = 	snop  }
0x4: {  	_ = 	snop  }
0x5: {  	_ = 	snop  }
0x6: {  	_ = 	snop  }
0x7: {  	_ = 	snop  }
__scs_overlays_trampoline_lowered:
0x8: {  	[smem:$0x3FAC] =	sst s0  }
0x9: {  	[smem:$0x3FAD] =	sst s1  }
0xa: {  	[smem:$0x3FAE] =	sst s2  }
0xb: {  	[smem:$0x3FAF] =	sst s3  }
0xc: {  	[smem:$0x3FB0] =	sst s4  }
0xd: {  	[smem:$0x3FB1] =	sst s5  }
0xe: {  	[smem:$0x3FB2] =	sst s6  }
0xf: {  	[smem:$0x3FB3] =	sst s7  }
0x10: {  	[smem:$0x3FB4] =	sst s8  }
0x11: {  	[smem:$0x3FB5] =	sst s9;
	s0 =	simm.s32 @!p0 $0x0  }
0x12: {  	s1 =	sld [smem:$0x3F9B];
	s0 =	simm.s32 @p0 $0x1  }
0x13: {  	[smem:$0x3FB6] =	sst s0;
	s0 =	simm.s32 @!p1 $0x0  }
0x14: {  	s2 =	sld [smem:$0x3F9A];
	s0 =	simm.s32 @p1 $0x1  }
0x15: {  	[smem:$0x3FB7] =	sst s0;
	s0 =	simm.s32 @!p2 $0x0  }
0x16: {  	s3 =	sld [smem:$0x3FDB];
	s0 =	simm.s32 @p2 $0x1  }
0x17: {  	s4 =	simm.s32 $0x1BF5;
	[smem:$0x3FB9] =	sst s0  }
0x18: {  	s0 =	sld [smem:$0x3F9C];
	_ =	swait.ge [sflag:s4], $0x0  }
0x19: {  	s7 =	sld [smem:$0x3F9D]  }
0x1a: {  	s8 =	sadd.s32 $0xFFFFE003, lr  }
0x1b: {  	s9 =	sadd.s32 $0xFFFFFEF7, lr;
	s5 =	simm.s32 $0xFFFFFFFF;
	p2 =	slt.u32 s8, $0xFFFFF086  }
0x1c: {  	p1 =	slt.u32 s9, $0xF7A;
	s5 =	simm.s32 @!p2 $0x0  }
0x1d: {  	s5 =	simm.s32 @p1 $0x1;
	p0 =	seq.s32 s7, s2  }
0x1e: {  	s7 =	smul.u32 @!p0 $0xF7A, s2;
	p2 =	seq.s32 @!p0 s5, $0x0  }
0x1f: {  	s9 =	smul.u32 $0xF7A, s1;
	s8 =	simm.s32 @!p0 $0x1BF5;
	p2 =	por !p2, p0  }
0x20: {  	[sflag:s8] =	ssyncset.s32 @!p0 $0xFFFFF086;
	s6 =	sadd.s32 @!p0 s3, s7;
	s7 =	simm.s32 @!p0 $0x108  }
0x21: {  	s3 =	sadd.s32 s3, s9;
	s6 =	sadd.s32 @!p0 $0x88, s6;
	s7 =	simm.s32 @p2 $0x1082  }
0x22: {  	[simem:s7], [sflag:s8] =	dma.local @!p0 [hbm:s6], $0xF7A  }
0x23: {  	s9 =	sor.u32 $0xD0000000, s2;
	s6 =	simm.s32 $0x108;
	_ =	swait.ge @!p0 [sflag:s8], $0x0  }
0x24: {  	s3 =	sadd.s32 $0x88, s3;
	s6 =	simm.s32 @!p1 $0x1082;
	[sflag:s4] =	ssyncset.s32 $0xFFFFF086  }
0x25: {  	[simem:s6], [sflag:s4] =	dma.local [hbm:s3], $0xF7A  }
0x26: {  	[smem:$0x3F9D] =	sst s1;
	(tag) =	ssettag s2;
	_ =	strace s9  }
0x27: {  	s1 =	sld [smem:$0x3FAD]  }
0x28: {  	s2 =	sld [smem:$0x3FAE]  }
0x29: {  	s4 =	sld [smem:$0x3FB0]  }
0x2a: {  	p0 =	seq.s32 s5, $0x0;
	s5 =	sld [smem:$0x3FB1]  }
0x2b: {  	s6 =	sld [smem:$0x3FB2]  }
0x2c: {  	s7 =	sld [smem:$0x3FB3]  }
0x2d: {  	s3 =	simm.s32 $0x108;
	s8 =	sld [smem:$0x3FB4]  }
0x2e: {  	s3 =	simm.s32 @!p0 $0x1082;
	s9 =	sld [smem:$0x3FB5]  }
0x2f: {  	lr =	sadd.s32 s0, s3;
	s0 =	sld [smem:$0x3FAC]  }
0x30: {  	s3 =	sld [smem:$0x3FAF]  }
0x31: {  	[smem:$0x3FB8] =	sst s10  }
0x32: {  	s10 =	sld [smem:$0x3FB6];
	_ =	sdelay $0x3  }
0x33: {  	p0 =	seq.s32 s10, $0x1;
	s10 =	sld [smem:$0x3FB8];
	_ =	sdelay $0x3  }
0x34: {  	[smem:$0x3FB8] =	sst s10  }
0x35: {  	s10 =	sld [smem:$0x3FB7];
	_ =	sdelay $0x3  }
0x36: {  	p1 =	seq.s32 s10, $0x1;
	s10 =	sld [smem:$0x3FB8];
	_ =	sdelay $0x3  }
0x37: {  	[smem:$0x3FB8] =	sst s10  }
0x38: {  	s10 =	sld [smem:$0x3FB9]  }
0x39: {  	_ = 	snop;
	(pc) =	sbr.ind lr, $3  }
0x3a: {  	_ = 	snop  }
0x3b: {  	_ = 	snop  }
0x3c: {  	p2 =	seq.s32 s10, $0x1;
	s10 =	sld [smem:$0x3FB8]  }
0x3d: {  	_ =	shalt  }
0x3e: {  	_ =	shalt  }
0x3f: {  	_ =	shalt  }
0x40: {  	_ =	shalt  }
0x41: {  	_ =	shalt  }
0x42: {  	_ =	shalt  }
0x43: {  	_ =	shalt  }
0x44: {  	_ =	shalt  }
0x45: {  	_ =	shalt  }
0x46: {  	_ =	shalt  }
0x47: {  	_ =	shalt  }
0x48: {  	_ =	shalt  }
0x49: {  	_ =	shalt  }
0x4a: {  	_ =	shalt  }
0x4b: {  	_ =	shalt  }
0x4c: {  	_ =	shalt  }
0x4d: {  	_ =	shalt  }
0x4e: {  	_ =	shalt  }
0x4f: {  	_ =	shalt  }
0x50: {  	_ =	shalt  }
0x51: {  	_ =	shalt  }
0x52: {  	_ =	shalt  }
0x53: {  	_ =	shalt  }
0x54: {  	_ =	shalt  }
0x55: {  	_ =	shalt  }
0x56: {  	_ =	shalt  }
0x57: {  	_ =	shalt  }
0x58: {  	_ =	shalt  }
0x59: {  	_ =	shalt  }
0x5a: {  	_ =	shalt  }
0x5b: {  	_ =	shalt  }
0x5c: {  	_ =	shalt  }
0x5d: {  	_ =	shalt  }
0x5e: {  	_ =	shalt  }
0x5f: {  	_ =	shalt  }
0x60: {  	_ =	shalt  }
0x61: {  	_ =	shalt  }
0x62: {  	_ =	shalt  }
0x63: {  	_ =	shalt  }
0x64: {  	_ =	shalt  }
0x65: {  	_ =	shalt  }
0x66: {  	_ =	shalt  }
0x67: {  	_ =	shalt  }
0x68: {  	_ =	shalt  }
0x69: {  	_ =	shalt  }
0x6a: {  	_ =	shalt  }
0x6b: {  	_ =	shalt  }
0x6c: {  	_ =	shalt  }
0x6d: {  	_ =	shalt  }
0x6e: {  	_ =	shalt  }
0x6f: {  	_ =	shalt  }
0x70: {  	_ =	shalt  }
0x71: {  	_ =	shalt  }
0x72: {  	_ =	shalt  }
0x73: {  	_ =	shalt  }
0x74: {  	_ =	shalt  }
0x75: {  	_ =	shalt  }
0x76: {  	_ =	shalt  }
0x77: {  	_ =	shalt  }
0x78: {  	_ =	shalt  }
0x79: {  	_ =	shalt  }
0x7a: {  	_ =	shalt  }
0x7b: {  	_ =	shalt  }
0x7c: {  	_ =	shalt  }
0x7d: {  	_ =	shalt  }
0x7e: {  	_ =	shalt  }
0x7f: {  	_ =	shalt  }
0x80: {  	_ =	shalt  }
0x81: {  	_ =	shalt  }
0x82: {  	_ =	shalt  }
0x83: {  	_ =	shalt  }
0x84: {  	_ =	shalt  }
0x85: {  	_ =	shalt  }
0x86: {  	_ =	shalt  }
0x87: {  	_ =	shalt  }
.Lfunc_end0:
.L_simem_size_0:
called_computation.1_lowered:
.L_overlay_start_0:
0x88: {  	s2 =	sld [smem:$0x3FD9]  }
0x89: {  	s3 =	sld [smem:$0x3FFE];
	_ =	sdelay $0x1  }
0x8a: {  	s1 =	srdreg.scid  }
0x8b: {  	s0 =	sand.u32 $0x1, s1  }
0x8c: {  	s17 =	sshll.u32 s0, $0xA;
	s2 =	sadd.s32 s3, s2  }
0x8d: {  	s2 =	sadd.s32 s2, s17  }
0x8e: {  	[smem:$0x3FC4] =	sst s2  }
0x8f: {  	_ = 	snop  }
0x90: {  	(tm) =	ssettm $0x1  }
0x91: {  	s18 =	sld [smem:$0x3FFB];
	_ =	sdelay $0x3  }
0x92: {  	_ =	strace s18  }
0x93: {  	s2 =	sld [smem:$0x3FFC];
	_ =	sdelay $0x3  }
0x94: {  	_ =	strace s2  }
0x95: {  	s2 =	sld [smem:$0x3FFD];
	_ =	sdelay $0x3  }
0x96: {  	_ =	strace s2  }
0x97: {  	_ =	strace $0x8FFFFFFF  }
0x98: {  	s19 =	sld [smem:$0x3FDB];
	_ =	sdelay $0x1  }
0x99: {  	s20 =	simm.s32 $_scs_section_size  }
0x9a: {  	s4 =	simm.s32 $_size__tile_overlayer_lowered;
	s5 =	simm.s32 $_tile_overlayer_lowered  }
0x9b: {  	s6 =	simm.s32 $0x1BFF;
	s21 =	sshll.u32 s5, $0x1;
	s3 =	sadd.s32 s20, s19  }
0x9c: {  	s22 =	simm.s32 $0x0;
	s4 =	sshll.u32 s4, $0x1;
	s5 =	sadd.s32 s21, s3  }
0x9d: {  	[timem:s22], [sflag:s6] =	dma.local [hbm:s5], s4  }
0x9e: {  	_ =	swait.ge [sflag:s6], s4  }
0x9f: {  	s4 =	ssub.s32 $0x0, s4;
	[sflag:s6] =	ssyncset.done $0x0  }
0xa0: {  	[sflag:s6] =	ssyncadd.s32 s4;
	_ =	sdelay $0x1  }
0xa1: {  	s23 =	simm.s32 $0x1B8B  }
0xa2: {  	_ =	swait.ge [sflag:s23], $0x1  }
0xa3: {  	[sflag:s23] =	ssyncset.done $0x0  }
0xa4: {  	[sflag:s23] =	ssyncadd.s32 $0xFFFFFFFF  }
0xa5: {  	s4 =	sld [smem:$0x0]  }
0xa6: {  	s5 =	sand.u32 $0xFFFFFFFE, s1  }
0xa7: {  	p0 =	sne.s32 s1, s5  }
0xa8: {  	s5 =	sshll.u32 @p0 s5, $0xE  }
0xa9: {  	s5 =	sadd.s32 @p0 $0x11B8D, s5;
	s6 =	sshll.u32 @p0 s4, $0x11  }
0xaa: {  	s5 =	sor.u32 @p0 s6, s5  }
0xab: {  	[sflag:s5] =	ssyncadd.remote.s32 @p0 $0x1;
	_ =	sdelay $0x1  }
0xac: {  	s5 =	simm.s32 @p0 $0x1B8D  }
0xad: {  	_ =	swait.eq @p0 [sflag:s5], $0x1  }
0xae: {  	[sflag:s5] =	ssyncadd.s32 @p0 $0xFFFFFFFF  }
0xaf: {  	s6 =	sshll.u32 @!p0 s1, $0xE  }
0xb0: {  	s6 =	sor.u32 @!p0 $0x4000, s6;
	s5 =	simm.s32 @!p0 $0x1B8D  }
0xb1: {  	s4 =	sshll.u32 @!p0 s4, $0x11;
	s6 =	sadd.s32 @!p0 $0x11B8D, s6;
	_ =	swait.eq @!p0 [sflag:s5], $0x1  }
0xb2: {  	s4 =	sor.u32 @!p0 s4, s6;
	[sflag:s5] =	ssyncadd.s32 @!p0 $0xFFFFFFFF  }
0xb3: {  	s25 =	simm.s32 $0x1B8E;
	s24 =	sld [smem:$0x3FFE];
	[sflag:s4] =	ssyncadd.remote.s32 @!p0 $0x1  }
0xb4: {  	s26 =	simm.s32 $execute0_lowered;
	[smem:$0x3FD2] =	sst s25  }
0xb5: {  	s5 =	sshll.u32 s26, $0x1;
	_ =	strace $0x80000049;
	[dreg:$0x1] =	wrdreg $0xFFFFFFFF  }
0xb6: {  	s28 =	simm.s32 $_size_execute0_lowered;
	s3 =	sadd.s32 s3, s5;
	[dreg:$0x0] =	wrdreg $0x0  }
0xb7: {  	s5 =	sshll.u32 s28, $0x1;
	[dreg:$0x2] =	wrdreg s3  }
0xb8: {  	[dreg:$0x3] =	wrdreg s5  }
0xb9: {  	[dreg:$0x4] =	wrdreg $0xC0  }
0xba: {  	_ =	task [dreg:s22], $0x5FFFF  }
0xbb: {  	[dreg:$0x1] =	wrdreg $0xFFFFFFFF  }
0xbc: {  	[dreg:$0x0] =	wrdreg $0x60  }
0xbd: {  	[dreg:$0x2] =	wrdreg s24  }
0xbe: {  	[dreg:$0x3] =	wrdreg $0xA  }
0xbf: {  	_ =	task.clear_ibuf [dreg:s22], $0x4FFFF;
	_ =	strace $0x90000049  }
0xc0: {  	s29 =	simm.s32 $0xA;
	_ =	strace $0x8000004B  }
0xc1: {  	_ =	swait.ge [sflag:s29], $0x1  }
0xc2: {  	[sflag:s29] =	ssyncadd.s32 $0xFFFFFFFF  }
0xc3: {  	_ =	strace $0x9000004B  }
0xc4: {  	_ =	sfence  }
0xc5: {  	s30 =	sld [smem:$0x0];
	_ =	sdelay $0x2  }
0xc6: {  	s31 =	sshll.u32 s1, $0xD;
	s1 =	sshrl.u32 s1, $0x2  }
0xc7: {  	s4 =	sand.u32 $0x4000, s31;
	s1 =	sadd.s32 s1, s30  }
0xc8: {  	s0 =	sor.u32 s4, s0;
	s1 =	sshll.u32 s1, $0x11  }
0xc9: {  	s0 =	sor.u32 s1, s0  }
0xca: {  	s0 =	sadd.s32 $0x8F2B, s0  }
0xcb: {  	[sflag:s0] =	ssyncadd.remote.s32 $0x1  }
0xcc: {  	_ =	sfence.sel $0xFFFF  }
0xcd: {  	[dreg:$0x0] =	wrdreg $0xFFFFFFFF;
	(pc) =	sbr.abs _section_cstart, $3  }
0xce: {  	[dreg:$0x1] =	wrdreg $0xFFFFFFFF  }
0xcf: {  	_ =	task.clear_ibuf [dreg:s22], $0x2FFFF;
	_ =	strace $0x9FFFFFFF  }
0xd0: {  	(tm) =	ssettm $0x7FFFFFFF  }
0xd1: {  	_ =	shalt  }
tec
execute0_lowered:
.L_overlay_start_1:
0x0: {  	(tag) =	ssettag $0x1  }
0x1: {  	s4 =	rddreg [dreg:$0x0]  }
0x2: {  	s0 =	rddreg [dreg:$0x1]  }
0x3: {  	s3 =	srdreg.scid;
	s2 =	simm.s32 $0x0;
	s1 =	stileid.u32  }
0x4: {  	s10 =	simm.s32 $0x1900;
	s11 =	simm.s32 $0x3900;
	s12 =	simm.s32 $0x1  }
0x5: {  	s13 =	simm.s32 $0x40;
	s14 =	simm.s32 $0x0;
	s5 =	sand.u32 $0x1, s3  }
0x6: {  	[smem:$0x7FF] =	sst s2;
	s29 =	sshll.u32 s1, $0x8;
	s3 =	sadd.s32 $0x16000, s4  }
0x7: {  	s8 =	sshll.u32 s1, $0xC;
	s6 =	sshll.u32 s5, $0x7;
	_ =	strace $0x8000004A  }
0x8: {  	s7 =	ssub.s32 $0x2, s5;
	s8 =	sadd.s32 s8, s4;
	s30 =	sshll.u32 s5, $0xB  }
0x9: {  	s6 =	sor.u32 s6, s29;
	s9 =	sshrl.u32 s7, $0x1;
	s31 =	sadd.s32 s30, s8  }
0xa: {  	s8 =	simm.s32 $0x1000;
	s6 =	sshrl.u32 s6, $0x3;
	s7 =	ssub.s32 s7, s9  }
0xb: {  	s9 =	simm.s32 $0x2;
	s6 =	sadd.s32 s6, s4;
	s5 =	smax.u32 s7, $0x1  }
0xc: {  	s7 =	simm.s32 $0x80;
	s4 =	sadd.s32 $0x1C00, s6;
	s6 =	sadd.s32 $0x10E8400, s31  }
.LBB2_1:
0xd: {  	[tilespmem:s2], [sflag:$0x2] =	stream.strided.gather [hbm4b:s4+s7], $0x1900, s8, s7, $0x38;
	[tilespmem:$0x5900] =	vst v63  }
0xe: {  	_ =	swait.ge [sflag:s9], $0x1900  }
0xf: {  	[sflag:s9] =	ssyncset.done $0x0  }
0x10: {  	s15 =	simm.s32 $0x0;
	[sflag:s9] =	ssyncadd.s32 $0xFFFFE700  }
0x11: {  	[tilespmem:s10], [sflag:$0x1] =	stream.indirect.gather [hbm4b:s3+s7], $0x40, s15, s7, $0xb8;
	[tilespmem:$0x5900] =	vst v63  }
0x12: {  	s30 =	simm.s32 $0x80  }
0x13: {  	[tilespmem:s11], [sflag:$0x1] =	stream.indirect.gather [hbm4b:s3+s7], $0x40, s30, s7, $0xb8;
	[tilespmem:$0x5900] =	vst v63  }
0x14: {  	_ =	swait.ge [sflag:s12], $0x2000  }
0x15: {  	[sflag:s12] =	ssyncset.done $0x0  }
0x16: {  	[sflag:s12] =	ssyncadd.s32 $0xFFFFE000  }
0x17: {  	[hbm4b:s6+s13] =	stream.strided.scatter [tilespmem:s10], [sflag:$0x2], $0x2000, s7, s13, $0x38;
	[tilespmem:$0x5900] =	vst v63  }
0x18: {  	_ =	swait.ge [sflag:s9], $0x2000  }
0x19: {  	[sflag:s9] =	ssyncset.done $0x0  }
0x1a: {  	[sflag:s9] =	ssyncadd.s32 $0xFFFFE000  }
0x1b: {  	_ =	swait.ge [sflag:s12], $0x2000  }
0x1c: {  	[sflag:s12] =	ssyncset.done $0x0  }
0x1d: {  	s31 =	sadd.s32 $0x8, s6;
	[sflag:s12] =	ssyncadd.s32 $0xFFFFE000  }
0x1e: {  	[hbm4b:s31+s13] =	stream.strided.scatter [tilespmem:s11], [sflag:$0x2], $0x2000, s7, s13, $0x38;
	[tilespmem:$0x5900] =	vst v63  }
0x1f: {  	s16 =	simm.s32 $0x400;
	_ =	swait.ge [sflag:s9], $0x2000  }
0x20: {  	s17 =	simm.s32 $0x800;
	s15 =	sadd.s32 $0x10000, s6;
	[sflag:s9] =	ssyncset.done $0x0  }
.LBB2_2:
0x21: {  	s18 =	sshra.s32 s16, $0x2  }
0x22: {  	[sflag:s9] =	ssyncadd.s32 $0xFFFFE000;
	s16 =	smov.u32 s17;
	s19 =	sadd.s32 $0x400, s17  }
0x23: {  	[tilespmem:s10], [sflag:$0x1] =	stream.indirect.gather [hbm4b:s3+s7], $0x40, s18, s7, $0xb8;
	[tilespmem:$0x5900] =	vst v63  }
0x24: {  	p0 =	sne.s32 s17, $0x6000;
	s17 =	sadd.s32 $0x80, s18  }
0x25: {  	[tilespmem:s11], [sflag:$0x1] =	stream.indirect.gather [hbm4b:s3+s7], $0x40, s17, s7, $0xb8;
	[tilespmem:$0x5900] =	vst v63  }
0x26: {  	_ =	swait.ge [sflag:s12], $0x2000  }
0x27: {  	[sflag:s12] =	ssyncset.done $0x0  }
0x28: {  	[sflag:s12] =	ssyncadd.s32 $0xFFFFE000  }
0x29: {  	[hbm4b:s15+s13] =	stream.strided.scatter [tilespmem:s10], [sflag:$0x2], $0x2000, s7, s13, $0x38;
	[tilespmem:$0x5900] =	vst v63  }
0x2a: {  	_ =	swait.ge [sflag:s9], $0x2000  }
0x2b: {  	[sflag:s9] =	ssyncset.done $0x0  }
0x2c: {  	[sflag:s9] =	ssyncadd.s32 $0xFFFFE000  }
0x2d: {  	_ =	swait.ge [sflag:s12], $0x2000  }
.Ltmp0:
0x2e: {  	[sflag:s12] =	ssyncset.done $0x0;
	(pc) =	sbr.rel @p0 .LBB2_2-.Ltmp0, $4  }
0x2f: {  	s17 =	sadd.s32 $0x8, s15;
	[sflag:s12] =	ssyncadd.s32 $0xFFFFE000  }
0x30: {  	[hbm4b:s17+s13] =	stream.strided.scatter [tilespmem:s11], [sflag:$0x2], $0x2000, s7, s13, $0x38;
	[tilespmem:$0x5900] =	vst v63  }
0x31: {  	_ =	swait.ge [sflag:s9], $0x2000  }
0x32: {  	s15 =	sadd.s32 $0x10000, s15;
	s17 =	smov.u32 s19;
	[sflag:s9] =	ssyncset.done $0x0  }
0x33: {  	s16 =	sshra.s32 s16, $0x2;
	[sflag:s9] =	ssyncadd.s32 $0xFFFFE000  }
0x34: {  	[tilespmem:s10], [sflag:$0x1] =	stream.indirect.gather [hbm4b:s3+s7], $0x40, s16, s7, $0xb8;
	[tilespmem:$0x5900] =	vst v63  }
0x35: {  	s16 =	sadd.s32 $0x80, s16  }
0x36: {  	[tilespmem:s11], [sflag:$0x1] =	stream.indirect.gather [hbm4b:s3+s7], $0x40, s16, s7, $0xb8;
	[tilespmem:$0x5900] =	vst v63  }
0x37: {  	_ =	swait.ge [sflag:s12], $0x2000  }
0x38: {  	[sflag:s12] =	ssyncset.done $0x0  }
0x39: {  	[sflag:s12] =	ssyncadd.s32 $0xFFFFE000  }
0x3a: {  	[hbm4b:s15+s13] =	stream.strided.scatter [tilespmem:s10], [sflag:$0x2], $0x2000, s7, s13, $0x38;
	[tilespmem:$0x5900] =	vst v63  }
0x3b: {  	_ =	swait.ge [sflag:s9], $0x2000  }
0x3c: {  	[sflag:s9] =	ssyncset.done $0x0  }
0x3d: {  	[sflag:s9] =	ssyncadd.s32 $0xFFFFE000  }
0x3e: {  	s14 =	sadd.s32 $0x1, s14;
	_ =	swait.ge [sflag:s12], $0x2000  }
0x3f: {  	p0 =	sne.s32 s14, s5;
	[sflag:s12] =	ssyncset.done $0x0  }
.Ltmp1:
0x40: {  	s31 =	sadd.s32 $0x8, s15;
	[sflag:s12] =	ssyncadd.s32 $0xFFFFE000;
	(pc) =	sbr.rel @p0 .LBB2_1-.Ltmp1, $4  }
0x41: {  	[hbm4b:s31+s13] =	stream.strided.scatter [tilespmem:s11], [sflag:$0x2], $0x2000, s7, s13, $0x38;
	[tilespmem:$0x5900] =	vst v63  }
0x42: {  	_ =	swait.ge [sflag:s9], $0x2000  }
0x43: {  	[sflag:s9] =	ssyncset.done $0x0  }
0x44: {  	[sflag:s9] =	ssyncadd.s32 $0xFFFFE000  }
0x45: {  	_ =	sfence.sel $0x180000  }
0x46: {  	[bflag:$0x0] =	sbarrier.arrive $0xFFFF  }
0x47: {  	p0 =	sne.s32 s1, $0x0;
	_ =	strace $0x9000004A  }
0x48: {  	s0 =	sadd.s32 @!p0 $0x100000, s0;
	[bflag:$0x2] =	sbarrier.arrive $0xFFFF  }
0x49: {  	[sflag:s0] =	ssyncadd.tile.s32 @!p0 $0x1;
	_ =	shalt  }
.Lfunc_end2:
_tile_overlayer_lowered:
.L_overlay_start_2:
0x4a: {  	(tag) =	ssettag $0x2  }
0x4b: {  	s0 =	rddreg [dreg:$0x0];
	s2 =	stileid.u32  }
0x4c: {  	s1 =	rddreg [dreg:$0x1];
	p0 =	sne.s32 s2, $0x0  }
0x4d: {  	s3 =	rddreg [dreg:$0x2];
	[bflag:$0x3] =	sbarrier.arrive $0xFFFF;
	s2 =	simm.s32 @!p0 $0x1C02  }
0x4e: {  	[timem:s3], [sflag:s2] =	dma.local @!p0 [hbm:s0], s1  }
0x4f: {  	s0 =	simm.s32 @!p0 $0x2  }
0x50: {  	_ =	swait.ge @!p0 [sflag:s0], s1  }
0x51: {  	s1 =	ssub.s32 @!p0 $0x0, s1;
	[sflag:s0] =	ssyncset.done @!p0 $0x0  }
0x52: {  	[sflag:s0] =	ssyncadd.s32 @!p0 s1  }
0x53: {  	[bflag:$0x3] =	sbarrier.arrive $0xFFFF  }
0x54: {  	_ =	shalt  }

// kernel: kernel.17.cloned.1.call-start
scs
__scs_entry_jumppad:
0x0: {  	(pc) =	sbr.rel $0x88, $3  }
0x1: {  	(tag) =	ssettag $0x0;
	lr =	simm.s32 $0x1  }
0x2: {  	[smem:$0x3F9D] =	sst lr;
	_ =	strace $0xD0000000  }
0x3: {  	_ = 	snop  }
0x4: {  	_ = 	snop  }
0x5: {  	_ = 	snop  }
0x6: {  	_ = 	snop  }
0x7: {  	_ = 	snop  }
__scs_overlays_trampoline_lowered:
0x8: {  	[smem:$0x3FAC] =	sst s0  }
0x9: {  	[smem:$0x3FAD] =	sst s1  }
0xa: {  	[smem:$0x3FAE] =	sst s2  }
0xb: {  	[smem:$0x3FAF] =	sst s3  }
0xc: {  	[smem:$0x3FB0] =	sst s4  }
0xd: {  	[smem:$0x3FB1] =	sst s5  }
0xe: {  	[smem:$0x3FB2] =	sst s6  }
0xf: {  	[smem:$0x3FB3] =	sst s7  }
0x10: {  	[smem:$0x3FB4] =	sst s8  }
0x11: {  	[smem:$0x3FB5] =	sst s9;
	s0 =	simm.s32 @!p0 $0x0  }
0x12: {  	s1 =	sld [smem:$0x3F9B];
	s0 =	simm.s32 @p0 $0x1  }
0x13: {  	[smem:$0x3FB6] =	sst s0;
	s0 =	simm.s32 @!p1 $0x0  }
0x14: {  	s2 =	sld [smem:$0x3F9A];
	s0 =	simm.s32 @p1 $0x1  }
0x15: {  	[smem:$0x3FB7] =	sst s0;
	s0 =	simm.s32 @!p2 $0x0  }
0x16: {  	s3 =	sld [smem:$0x3FDB];
	s0 =	simm.s32 @p2 $0x1  }
0x17: {  	s4 =	simm.s32 $0x1BF5;
	[smem:$0x3FB9] =	sst s0  }
0x18: {  	s0 =	sld [smem:$0x3F9C];
	_ =	swait.ge [sflag:s4], $0x0  }
0x19: {  	s7 =	sld [smem:$0x3F9D]  }
0x1a: {  	s8 =	sadd.s32 $0xFFFFE003, lr  }
0x1b: {  	s9 =	sadd.s32 $0xFFFFFEF7, lr;
	s5 =	simm.s32 $0xFFFFFFFF;
	p2 =	slt.u32 s8, $0xFFFFF086  }
0x1c: {  	p1 =	slt.u32 s9, $0xF7A;
	s5 =	simm.s32 @!p2 $0x0  }
0x1d: {  	s5 =	simm.s32 @p1 $0x1;
	p0 =	seq.s32 s7, s2  }
0x1e: {  	s7 =	smul.u32 @!p0 $0xF7A, s2;
	p2 =	seq.s32 @!p0 s5, $0x0  }
0x1f: {  	s9 =	smul.u32 $0xF7A, s1;
	s8 =	simm.s32 @!p0 $0x1BF5;
	p2 =	por !p2, p0  }
0x20: {  	[sflag:s8] =	ssyncset.s32 @!p0 $0xFFFFF086;
	s6 =	sadd.s32 @!p0 s3, s7;
	s7 =	simm.s32 @!p0 $0x108  }
0x21: {  	s3 =	sadd.s32 s3, s9;
	s6 =	sadd.s32 @!p0 $0x88, s6;
	s7 =	simm.s32 @p2 $0x1082  }
0x22: {  	[simem:s7], [sflag:s8] =	dma.local @!p0 [hbm:s6], $0xF7A  }
0x23: {  	s9 =	sor.u32 $0xD0000000, s2;
	s6 =	simm.s32 $0x108;
	_ =	swait.ge @!p0 [sflag:s8], $0x0  }
0x24: {  	s3 =	sadd.s32 $0x88, s3;
	s6 =	simm.s32 @!p1 $0x1082;
	[sflag:s4] =	ssyncset.s32 $0xFFFFF086  }
0x25: {  	[simem:s6], [sflag:s4] =	dma.local [hbm:s3], $0xF7A  }
0x26: {  	[smem:$0x3F9D] =	sst s1;
	(tag) =	ssettag s2;
	_ =	strace s9  }
0x27: {  	s1 =	sld [smem:$0x3FAD]  }
0x28: {  	s2 =	sld [smem:$0x3FAE]  }
0x29: {  	s4 =	sld [smem:$0x3FB0]  }
0x2a: {  	p0 =	seq.s32 s5, $0x0;
	s5 =	sld [smem:$0x3FB1]  }
0x2b: {  	s6 =	sld [smem:$0x3FB2]  }
0x2c: {  	s7 =	sld [smem:$0x3FB3]  }
0x2d: {  	s3 =	simm.s32 $0x108;
	s8 =	sld [smem:$0x3FB4]  }
0x2e: {  	s3 =	simm.s32 @!p0 $0x1082;
	s9 =	sld [smem:$0x3FB5]  }
0x2f: {  	lr =	sadd.s32 s0, s3;
	s0 =	sld [smem:$0x3FAC]  }
0x30: {  	s3 =	sld [smem:$0x3FAF]  }
0x31: {  	[smem:$0x3FB8] =	sst s10  }
0x32: {  	s10 =	sld [smem:$0x3FB6];
	_ =	sdelay $0x3  }
0x33: {  	p0 =	seq.s32 s10, $0x1;
	s10 =	sld [smem:$0x3FB8];
	_ =	sdelay $0x3  }
0x34: {  	[smem:$0x3FB8] =	sst s10  }
0x35: {  	s10 =	sld [smem:$0x3FB7];
	_ =	sdelay $0x3  }
0x36: {  	p1 =	seq.s32 s10, $0x1;
	s10 =	sld [smem:$0x3FB8];
	_ =	sdelay $0x3  }
0x37: {  	[smem:$0x3FB8] =	sst s10  }
0x38: {  	s10 =	sld [smem:$0x3FB9]  }
0x39: {  	_ = 	snop;
	(pc) =	sbr.ind lr, $3  }
0x3a: {  	_ = 	snop  }
0x3b: {  	_ = 	snop  }
0x3c: {  	p2 =	seq.s32 s10, $0x1;
	s10 =	sld [smem:$0x3FB8]  }
0x3d: {  	_ =	shalt  }
0x3e: {  	_ =	shalt  }
0x3f: {  	_ =	shalt  }
0x40: {  	_ =	shalt  }
0x41: {  	_ =	shalt  }
0x42: {  	_ =	shalt  }
0x43: {  	_ =	shalt  }
0x44: {  	_ =	shalt  }
0x45: {  	_ =	shalt  }
0x46: {  	_ =	shalt  }
0x47: {  	_ =	shalt  }
0x48: {  	_ =	shalt  }
0x49: {  	_ =	shalt  }
0x4a: {  	_ =	shalt  }
0x4b: {  	_ =	shalt  }
0x4c: {  	_ =	shalt  }
0x4d: {  	_ =	shalt  }
0x4e: {  	_ =	shalt  }
0x4f: {  	_ =	shalt  }
0x50: {  	_ =	shalt  }
0x51: {  	_ =	shalt  }
0x52: {  	_ =	shalt  }
0x53: {  	_ =	shalt  }
0x54: {  	_ =	shalt  }
0x55: {  	_ =	shalt  }
0x56: {  	_ =	shalt  }
0x57: {  	_ =	shalt  }
0x58: {  	_ =	shalt  }
0x59: {  	_ =	shalt  }
0x5a: {  	_ =	shalt  }
0x5b: {  	_ =	shalt  }
0x5c: {  	_ =	shalt  }
0x5d: {  	_ =	shalt  }
0x5e: {  	_ =	shalt  }
0x5f: {  	_ =	shalt  }
0x60: {  	_ =	shalt  }
0x61: {  	_ =	shalt  }
0x62: {  	_ =	shalt  }
0x63: {  	_ =	shalt  }
0x64: {  	_ =	shalt  }
0x65: {  	_ =	shalt  }
0x66: {  	_ =	shalt  }
0x67: {  	_ =	shalt  }
0x68: {  	_ =	shalt  }
0x69: {  	_ =	shalt  }
0x6a: {  	_ =	shalt  }
0x6b: {  	_ =	shalt  }
0x6c: {  	_ =	shalt  }
0x6d: {  	_ =	shalt  }
0x6e: {  	_ =	shalt  }
0x6f: {  	_ =	shalt  }
0x70: {  	_ =	shalt  }
0x71: {  	_ =	shalt  }
0x72: {  	_ =	shalt  }
0x73: {  	_ =	shalt  }
0x74: {  	_ =	shalt  }
0x75: {  	_ =	shalt  }
0x76: {  	_ =	shalt  }
0x77: {  	_ =	shalt  }
0x78: {  	_ =	shalt  }
0x79: {  	_ =	shalt  }
0x7a: {  	_ =	shalt  }
0x7b: {  	_ =	shalt  }
0x7c: {  	_ =	shalt  }
0x7d: {  	_ =	shalt  }
0x7e: {  	_ =	shalt  }
0x7f: {  	_ =	shalt  }
0x80: {  	_ =	shalt  }
0x81: {  	_ =	shalt  }
0x82: {  	_ =	shalt  }
0x83: {  	_ =	shalt  }
0x84: {  	_ =	shalt  }
0x85: {  	_ =	shalt  }
0x86: {  	_ =	shalt  }
0x87: {  	_ =	shalt  }
.Lfunc_end0:
.L_simem_size_0:
called_computation.2_lowered:
.L_overlay_start_0:
0x88: {  	s2 =	sld [smem:$0x3FD9]  }
0x89: {  	s3 =	sld [smem:$0x3FFE];
	_ =	sdelay $0x1  }
0x8a: {  	s1 =	srdreg.scid  }
0x8b: {  	s0 =	sand.u32 $0x1, s1  }
0x8c: {  	s17 =	sshll.u32 s0, $0xA;
	s2 =	sadd.s32 s3, s2  }
0x8d: {  	s2 =	sadd.s32 s2, s17  }
0x8e: {  	[smem:$0x3FC4] =	sst s2  }
0x8f: {  	_ = 	snop  }
0x90: {  	(tm) =	ssettm $0x1  }
0x91: {  	s18 =	sld [smem:$0x3FFB];
	_ =	sdelay $0x3  }
0x92: {  	_ =	strace s18  }
0x93: {  	s2 =	sld [smem:$0x3FFC];
	_ =	sdelay $0x3  }
0x94: {  	_ =	strace s2  }
0x95: {  	s2 =	sld [smem:$0x3FFD];
	_ =	sdelay $0x3  }
0x96: {  	_ =	strace s2  }
0x97: {  	_ =	strace $0x8FFFFFFF  }
0x98: {  	s19 =	sld [smem:$0x3FDB];
	_ =	sdelay $0x1  }
0x99: {  	s20 =	simm.s32 $_scs_section_size  }
0x9a: {  	s4 =	simm.s32 $_size__tile_overlayer_lowered;
	s5 =	simm.s32 $_tile_overlayer_lowered  }
0x9b: {  	s6 =	simm.s32 $0x1BFF;
	s21 =	sshll.u32 s5, $0x1;
	s3 =	sadd.s32 s20, s19  }
0x9c: {  	s22 =	simm.s32 $0x0;
	s4 =	sshll.u32 s4, $0x1;
	s5 =	sadd.s32 s21, s3  }
0x9d: {  	[timem:s22], [sflag:s6] =	dma.local [hbm:s5], s4  }
0x9e: {  	_ =	swait.ge [sflag:s6], s4  }
0x9f: {  	s4 =	ssub.s32 $0x0, s4;
	[sflag:s6] =	ssyncset.done $0x0  }
0xa0: {  	[sflag:s6] =	ssyncadd.s32 s4;
	_ =	sdelay $0x1  }
0xa1: {  	s23 =	simm.s32 $0x1B8B  }
0xa2: {  	_ =	swait.ge [sflag:s23], $0x1  }
0xa3: {  	[sflag:s23] =	ssyncset.done $0x0  }
0xa4: {  	[sflag:s23] =	ssyncadd.s32 $0xFFFFFFFF  }
0xa5: {  	s4 =	sld [smem:$0x0]  }
0xa6: {  	s5 =	sand.u32 $0xFFFFFFFE, s1  }
0xa7: {  	p0 =	sne.s32 s1, s5  }
0xa8: {  	s5 =	sshll.u32 @p0 s5, $0xE  }
0xa9: {  	s5 =	sadd.s32 @p0 $0x11B8D, s5;
	s6 =	sshll.u32 @p0 s4, $0x11  }
0xaa: {  	s5 =	sor.u32 @p0 s6, s5  }
0xab: {  	[sflag:s5] =	ssyncadd.remote.s32 @p0 $0x1;
	_ =	sdelay $0x1  }
0xac: {  	s5 =	simm.s32 @p0 $0x1B8D  }
0xad: {  	_ =	swait.eq @p0 [sflag:s5], $0x1  }
0xae: {  	[sflag:s5] =	ssyncadd.s32 @p0 $0xFFFFFFFF  }
0xaf: {  	s6 =	sshll.u32 @!p0 s1, $0xE  }
0xb0: {  	s6 =	sor.u32 @!p0 $0x4000, s6;
	s5 =	simm.s32 @!p0 $0x1B8D  }
0xb1: {  	s4 =	sshll.u32 @!p0 s4, $0x11;
	s6 =	sadd.s32 @!p0 $0x11B8D, s6;
	_ =	swait.eq @!p0 [sflag:s5], $0x1  }
0xb2: {  	s4 =	sor.u32 @!p0 s4, s6;
	[sflag:s5] =	ssyncadd.s32 @!p0 $0xFFFFFFFF  }
0xb3: {  	s25 =	simm.s32 $0x1B8E;
	s24 =	sld [smem:$0x3FFE];
	[sflag:s4] =	ssyncadd.remote.s32 @!p0 $0x1  }
0xb4: {  	s26 =	simm.s32 $execute0_lowered;
	[smem:$0x3FD2] =	sst s25  }
0xb5: {  	s5 =	sshll.u32 s26, $0x1;
	_ =	strace $0x8000004C;
	[dreg:$0x1] =	wrdreg $0xFFFFFFFF  }
0xb6: {  	s28 =	simm.s32 $_size_execute0_lowered;
	s3 =	sadd.s32 s3, s5;
	[dreg:$0x0] =	wrdreg $0x0  }
0xb7: {  	s5 =	sshll.u32 s28, $0x1;
	[dreg:$0x2] =	wrdreg s3  }
0xb8: {  	[dreg:$0x3] =	wrdreg s5  }
0xb9: {  	[dreg:$0x4] =	wrdreg $0xC0  }
0xba: {  	_ =	task [dreg:s22], $0x5FFFF  }
0xbb: {  	[dreg:$0x1] =	wrdreg $0xFFFFFFFF  }
0xbc: {  	[dreg:$0x0] =	wrdreg $0x60  }
0xbd: {  	[dreg:$0x2] =	wrdreg s24  }
0xbe: {  	[dreg:$0x3] =	wrdreg $0xB  }
0xbf: {  	_ =	task.clear_ibuf [dreg:s22], $0x4FFFF;
	_ =	strace $0x9000004C  }
0xc0: {  	s29 =	simm.s32 $0xB;
	_ =	strace $0x8000004E  }
0xc1: {  	_ =	swait.ge [sflag:s29], $0x1  }
0xc2: {  	[sflag:s29] =	ssyncadd.s32 $0xFFFFFFFF  }
0xc3: {  	_ =	strace $0x9000004E  }
0xc4: {  	_ =	sfence  }
0xc5: {  	s30 =	sld [smem:$0x0];
	_ =	sdelay $0x2  }
0xc6: {  	s31 =	sshll.u32 s1, $0xD;
	s1 =	sshrl.u32 s1, $0x2  }
0xc7: {  	s4 =	sand.u32 $0x4000, s31;
	s1 =	sadd.s32 s1, s30  }
0xc8: {  	s0 =	sor.u32 s4, s0;
	s1 =	sshll.u32 s1, $0x11  }
0xc9: {  	s0 =	sor.u32 s1, s0  }
0xca: {  	s0 =	sadd.s32 $0x8F2B, s0  }
0xcb: {  	[sflag:s0] =	ssyncadd.remote.s32 $0x1  }
0xcc: {  	_ =	sfence.sel $0xFFFF  }
0xcd: {  	[dreg:$0x0] =	wrdreg $0xFFFFFFFF;
	(pc) =	sbr.abs _section_cstart, $3  }
0xce: {  	[dreg:$0x1] =	wrdreg $0xFFFFFFFF  }
0xcf: {  	_ =	task.clear_ibuf [dreg:s22], $0x2FFFF;
	_ =	strace $0x9FFFFFFF  }
0xd0: {  	(tm) =	ssettm $0x7FFFFFFF  }
0xd1: {  	_ =	shalt  }
tec
execute0_lowered:
.L_overlay_start_1:
0x0: {  	(tag) =	ssettag $0x1  }
0x1: {  	s4 =	rddreg [dreg:$0x0]  }
0x2: {  	s0 =	rddreg [dreg:$0x1]  }
0x3: {  	s3 =	srdreg.scid;
	s2 =	simm.s32 $0x0;
	s1 =	stileid.u32  }
0x4: {  	s10 =	simm.s32 $0x1900;
	s11 =	simm.s32 $0x3900;
	s12 =	simm.s32 $0x1  }
0x5: {  	s13 =	simm.s32 $0x40;
	s14 =	simm.s32 $0x0;
	s5 =	sand.u32 $0x1, s3  }
0x6: {  	[smem:$0x7FF] =	sst s2;
	s29 =	sshll.u32 s1, $0x8;
	s3 =	sadd.s32 $0x16000, s4  }
0x7: {  	s8 =	sshll.u32 s1, $0xC;
	s6 =	sshll.u32 s5, $0x7;
	_ =	strace $0x8000004D  }
0x8: {  	s7 =	ssub.s32 $0x2, s5;
	s8 =	sadd.s32 s8, s4;
	s30 =	sshll.u32 s5, $0xB  }
0x9: {  	s6 =	sor.u32 s6, s29;
	s9 =	sshrl.u32 s7, $0x1;
	s31 =	sadd.s32 s30, s8  }
0xa: {  	s8 =	simm.s32 $0x1000;
	s6 =	sshrl.u32 s6, $0x3;
	s7 =	ssub.s32 s7, s9  }
0xb: {  	s9 =	simm.s32 $0x2;
	s6 =	sadd.s32 s6, s4;
	s5 =	smax.u32 s7, $0x1  }
0xc: {  	s7 =	simm.s32 $0x80;
	s4 =	sadd.s32 $0x8000, s6;
	s6 =	sadd.s32 $0x1278400, s31  }
.LBB2_1:
0xd: {  	[tilespmem:s2], [sflag:$0x2] =	stream.strided.gather [hbm4b:s4+s7], $0x1900, s8, s7, $0x38;
	[tilespmem:$0x5900] =	vst v63  }
0xe: {  	_ =	swait.ge [sflag:s9], $0x1900  }
0xf: {  	[sflag:s9] =	ssyncset.done $0x0  }
0x10: {  	s15 =	simm.s32 $0x0;
	[sflag:s9] =	ssyncadd.s32 $0xFFFFE700  }
0x11: {  	[tilespmem:s10], [sflag:$0x1] =	stream.indirect.gather [hbm4b:s3+s7], $0x40, s15, s7, $0xb8;
	[tilespmem:$0x5900] =	vst v63  }
0x12: {  	s30 =	simm.s32 $0x80  }
0x13: {  	[tilespmem:s11], [sflag:$0x1] =	stream.indirect.gather [hbm4b:s3+s7], $0x40, s30, s7, $0xb8;
	[tilespmem:$0x5900] =	vst v63  }
0x14: {  	_ =	swait.ge [sflag:s12], $0x2000  }
0x15: {  	[sflag:s12] =	ssyncset.done $0x0  }
0x16: {  	[sflag:s12] =	ssyncadd.s32 $0xFFFFE000  }
0x17: {  	[hbm4b:s6+s13] =	stream.strided.scatter [tilespmem:s10], [sflag:$0x2], $0x2000, s7, s13, $0x38;
	[tilespmem:$0x5900] =	vst v63  }
0x18: {  	_ =	swait.ge [sflag:s9], $0x2000  }
0x19: {  	[sflag:s9] =	ssyncset.done $0x0  }
0x1a: {  	[sflag:s9] =	ssyncadd.s32 $0xFFFFE000  }
0x1b: {  	_ =	swait.ge [sflag:s12], $0x2000  }
0x1c: {  	[sflag:s12] =	ssyncset.done $0x0  }
0x1d: {  	s31 =	sadd.s32 $0x8, s6;
	[sflag:s12] =	ssyncadd.s32 $0xFFFFE000  }
0x1e: {  	[hbm4b:s31+s13] =	stream.strided.scatter [tilespmem:s11], [sflag:$0x2], $0x2000, s7, s13, $0x38;
	[tilespmem:$0x5900] =	vst v63  }
0x1f: {  	s16 =	simm.s32 $0x400;
	_ =	swait.ge [sflag:s9], $0x2000  }
0x20: {  	s17 =	simm.s32 $0x800;
	s15 =	sadd.s32 $0x10000, s6;
	[sflag:s9] =	ssyncset.done $0x0  }
.LBB2_2:
0x21: {  	s18 =	sshra.s32 s16, $0x2  }
0x22: {  	[sflag:s9] =	ssyncadd.s32 $0xFFFFE000;
	s16 =	smov.u32 s17;
	s19 =	sadd.s32 $0x400, s17  }
0x23: {  	[tilespmem:s10], [sflag:$0x1] =	stream.indirect.gather [hbm4b:s3+s7], $0x40, s18, s7, $0xb8;
	[tilespmem:$0x5900] =	vst v63  }
0x24: {  	p0 =	sne.s32 s17, $0x6000;
	s17 =	sadd.s32 $0x80, s18  }
0x25: {  	[tilespmem:s11], [sflag:$0x1] =	stream.indirect.gather [hbm4b:s3+s7], $0x40, s17, s7, $0xb8;
	[tilespmem:$0x5900] =	vst v63  }
0x26: {  	_ =	swait.ge [sflag:s12], $0x2000  }
0x27: {  	[sflag:s12] =	ssyncset.done $0x0  }
0x28: {  	[sflag:s12] =	ssyncadd.s32 $0xFFFFE000  }
0x29: {  	[hbm4b:s15+s13] =	stream.strided.scatter [tilespmem:s10], [sflag:$0x2], $0x2000, s7, s13, $0x38;
	[tilespmem:$0x5900] =	vst v63  }
0x2a: {  	_ =	swait.ge [sflag:s9], $0x2000  }
0x2b: {  	[sflag:s9] =	ssyncset.done $0x0  }
0x2c: {  	[sflag:s9] =	ssyncadd.s32 $0xFFFFE000  }
0x2d: {  	_ =	swait.ge [sflag:s12], $0x2000  }
.Ltmp0:
0x2e: {  	[sflag:s12] =	ssyncset.done $0x0;
	(pc) =	sbr.rel @p0 .LBB2_2-.Ltmp0, $4  }
0x2f: {  	s17 =	sadd.s32 $0x8, s15;
	[sflag:s12] =	ssyncadd.s32 $0xFFFFE000  }
0x30: {  	[hbm4b:s17+s13] =	stream.strided.scatter [tilespmem:s11], [sflag:$0x2], $0x2000, s7, s13, $0x38;
	[tilespmem:$0x5900] =	vst v63  }
0x31: {  	_ =	swait.ge [sflag:s9], $0x2000  }
0x32: {  	s15 =	sadd.s32 $0x10000, s15;
	s17 =	smov.u32 s19;
	[sflag:s9] =	ssyncset.done $0x0  }
0x33: {  	s16 =	sshra.s32 s16, $0x2;
	[sflag:s9] =	ssyncadd.s32 $0xFFFFE000  }
0x34: {  	[tilespmem:s10], [sflag:$0x1] =	stream.indirect.gather [hbm4b:s3+s7], $0x40, s16, s7, $0xb8;
	[tilespmem:$0x5900] =	vst v63  }
0x35: {  	s16 =	sadd.s32 $0x80, s16  }
0x36: {  	[tilespmem:s11], [sflag:$0x1] =	stream.indirect.gather [hbm4b:s3+s7], $0x40, s16, s7, $0xb8;
	[tilespmem:$0x5900] =	vst v63  }
0x37: {  	_ =	swait.ge [sflag:s12], $0x2000  }
0x38: {  	[sflag:s12] =	ssyncset.done $0x0  }
0x39: {  	[sflag:s12] =	ssyncadd.s32 $0xFFFFE000  }
0x3a: {  	[hbm4b:s15+s13] =	stream.strided.scatter [tilespmem:s10], [sflag:$0x2], $0x2000, s7, s13, $0x38;
	[tilespmem:$0x5900] =	vst v63  }
0x3b: {  	_ =	swait.ge [sflag:s9], $0x2000  }
0x3c: {  	[sflag:s9] =	ssyncset.done $0x0  }
0x3d: {  	[sflag:s9] =	ssyncadd.s32 $0xFFFFE000  }
0x3e: {  	s14 =	sadd.s32 $0x1, s14;
	_ =	swait.ge [sflag:s12], $0x2000  }
0x3f: {  	p0 =	sne.s32 s14, s5;
	[sflag:s12] =	ssyncset.done $0x0  }
.Ltmp1:
0x40: {  	s31 =	sadd.s32 $0x8, s15;
	[sflag:s12] =	ssyncadd.s32 $0xFFFFE000;
	(pc) =	sbr.rel @p0 .LBB2_1-.Ltmp1, $4  }
0x41: {  	[hbm4b:s31+s13] =	stream.strided.scatter [tilespmem:s11], [sflag:$0x2], $0x2000, s7, s13, $0x38;
	[tilespmem:$0x5900] =	vst v63  }
0x42: {  	_ =	swait.ge [sflag:s9], $0x2000  }
0x43: {  	[sflag:s9] =	ssyncset.done $0x0  }
0x44: {  	[sflag:s9] =	ssyncadd.s32 $0xFFFFE000  }
0x45: {  	_ =	sfence.sel $0x180000  }
0x46: {  	[bflag:$0x0] =	sbarrier.arrive $0xFFFF  }
0x47: {  	p0 =	sne.s32 s1, $0x0;
	_ =	strace $0x9000004D  }
0x48: {  	s0 =	sadd.s32 @!p0 $0x100000, s0;
	[bflag:$0x2] =	sbarrier.arrive $0xFFFF  }
0x49: {  	[sflag:s0] =	ssyncadd.tile.s32 @!p0 $0x1;
	_ =	shalt  }
.Lfunc_end2:
_tile_overlayer_lowered:
.L_overlay_start_2:
0x4a: {  	(tag) =	ssettag $0x2  }
0x4b: {  	s0 =	rddreg [dreg:$0x0];
	s2 =	stileid.u32  }
0x4c: {  	s1 =	rddreg [dreg:$0x1];
	p0 =	sne.s32 s2, $0x0  }
0x4d: {  	s3 =	rddreg [dreg:$0x2];
	[bflag:$0x3] =	sbarrier.arrive $0xFFFF;
	s2 =	simm.s32 @!p0 $0x1C02  }
0x4e: {  	[timem:s3], [sflag:s2] =	dma.local @!p0 [hbm:s0], s1  }
0x4f: {  	s0 =	simm.s32 @!p0 $0x2  }
0x50: {  	_ =	swait.ge @!p0 [sflag:s0], s1  }
0x51: {  	s1 =	ssub.s32 @!p0 $0x0, s1;
	[sflag:s0] =	ssyncset.done @!p0 $0x0  }
0x52: {  	[sflag:s0] =	ssyncadd.s32 @!p0 s1  }
0x53: {  	[bflag:$0x3] =	sbarrier.arrive $0xFFFF  }
0x54: {  	_ =	shalt  }

// kernel: kernel.20.cloned.1.call-start
scs
__scs_entry_jumppad:
0x0: {  	(pc) =	sbr.rel $0x88, $3  }
0x1: {  	(tag) =	ssettag $0x0;
	lr =	simm.s32 $0x1  }
0x2: {  	[smem:$0x3F9D] =	sst lr;
	_ =	strace $0xD0000000  }
0x3: {  	_ = 	snop  }
0x4: {  	_ = 	snop  }
0x5: {  	_ = 	snop  }
0x6: {  	_ = 	snop  }
0x7: {  	_ = 	snop  }
__scs_overlays_trampoline_lowered:
0x8: {  	[smem:$0x3FAC] =	sst s0  }
0x9: {  	[smem:$0x3FAD] =	sst s1  }
0xa: {  	[smem:$0x3FAE] =	sst s2  }
0xb: {  	[smem:$0x3FAF] =	sst s3  }
0xc: {  	[smem:$0x3FB0] =	sst s4  }
0xd: {  	[smem:$0x3FB1] =	sst s5  }
0xe: {  	[smem:$0x3FB2] =	sst s6  }
0xf: {  	[smem:$0x3FB3] =	sst s7  }
0x10: {  	[smem:$0x3FB4] =	sst s8  }
0x11: {  	[smem:$0x3FB5] =	sst s9;
	s0 =	simm.s32 @!p0 $0x0  }
0x12: {  	s1 =	sld [smem:$0x3F9B];
	s0 =	simm.s32 @p0 $0x1  }
0x13: {  	[smem:$0x3FB6] =	sst s0;
	s0 =	simm.s32 @!p1 $0x0  }
0x14: {  	s2 =	sld [smem:$0x3F9A];
	s0 =	simm.s32 @p1 $0x1  }
0x15: {  	[smem:$0x3FB7] =	sst s0;
	s0 =	simm.s32 @!p2 $0x0  }
0x16: {  	s3 =	sld [smem:$0x3FDB];
	s0 =	simm.s32 @p2 $0x1  }
0x17: {  	s4 =	simm.s32 $0x1BF5;
	[smem:$0x3FB9] =	sst s0  }
0x18: {  	s0 =	sld [smem:$0x3F9C];
	_ =	swait.ge [sflag:s4], $0x0  }
0x19: {  	s7 =	sld [smem:$0x3F9D]  }
0x1a: {  	s8 =	sadd.s32 $0xFFFFE003, lr  }
0x1b: {  	s9 =	sadd.s32 $0xFFFFFEF7, lr;
	s5 =	simm.s32 $0xFFFFFFFF;
	p2 =	slt.u32 s8, $0xFFFFF086  }
0x1c: {  	p1 =	slt.u32 s9, $0xF7A;
	s5 =	simm.s32 @!p2 $0x0  }
0x1d: {  	s5 =	simm.s32 @p1 $0x1;
	p0 =	seq.s32 s7, s2  }
0x1e: {  	s7 =	smul.u32 @!p0 $0xF7A, s2;
	p2 =	seq.s32 @!p0 s5, $0x0  }
0x1f: {  	s9 =	smul.u32 $0xF7A, s1;
	s8 =	simm.s32 @!p0 $0x1BF5;
	p2 =	por !p2, p0  }
0x20: {  	[sflag:s8] =	ssyncset.s32 @!p0 $0xFFFFF086;
	s6 =	sadd.s32 @!p0 s3, s7;
	s7 =	simm.s32 @!p0 $0x108  }
0x21: {  	s3 =	sadd.s32 s3, s9;
	s6 =	sadd.s32 @!p0 $0x88, s6;
	s7 =	simm.s32 @p2 $0x1082  }
0x22: {  	[simem:s7], [sflag:s8] =	dma.local @!p0 [hbm:s6], $0xF7A  }
0x23: {  	s9 =	sor.u32 $0xD0000000, s2;
	s6 =	simm.s32 $0x108;
	_ =	swait.ge @!p0 [sflag:s8], $0x0  }
0x24: {  	s3 =	sadd.s32 $0x88, s3;
	s6 =	simm.s32 @!p1 $0x1082;
	[sflag:s4] =	ssyncset.s32 $0xFFFFF086  }
0x25: {  	[simem:s6], [sflag:s4] =	dma.local [hbm:s3], $0xF7A  }
0x26: {  	[smem:$0x3F9D] =	sst s1;
	(tag) =	ssettag s2;
	_ =	strace s9  }
0x27: {  	s1 =	sld [smem:$0x3FAD]  }
0x28: {  	s2 =	sld [smem:$0x3FAE]  }
0x29: {  	s4 =	sld [smem:$0x3FB0]  }
0x2a: {  	p0 =	seq.s32 s5, $0x0;
	s5 =	sld [smem:$0x3FB1]  }
0x2b: {  	s6 =	sld [smem:$0x3FB2]  }
0x2c: {  	s7 =	sld [smem:$0x3FB3]  }
0x2d: {  	s3 =	simm.s32 $0x108;
	s8 =	sld [smem:$0x3FB4]  }
0x2e: {  	s3 =	simm.s32 @!p0 $0x1082;
	s9 =	sld [smem:$0x3FB5]  }
0x2f: {  	lr =	sadd.s32 s0, s3;
	s0 =	sld [smem:$0x3FAC]  }
0x30: {  	s3 =	sld [smem:$0x3FAF]  }
0x31: {  	[smem:$0x3FB8] =	sst s10  }
0x32: {  	s10 =	sld [smem:$0x3FB6];
	_ =	sdelay $0x3  }
0x33: {  	p0 =	seq.s32 s10, $0x1;
	s10 =	sld [smem:$0x3FB8];
	_ =	sdelay $0x3  }
0x34: {  	[smem:$0x3FB8] =	sst s10  }
0x35: {  	s10 =	sld [smem:$0x3FB7];
	_ =	sdelay $0x3  }
0x36: {  	p1 =	seq.s32 s10, $0x1;
	s10 =	sld [smem:$0x3FB8];
	_ =	sdelay $0x3  }
0x37: {  	[smem:$0x3FB8] =	sst s10  }
0x38: {  	s10 =	sld [smem:$0x3FB9]  }
0x39: {  	_ = 	snop;
	(pc) =	sbr.ind lr, $3  }
0x3a: {  	_ = 	snop  }
0x3b: {  	_ = 	snop  }
0x3c: {  	p2 =	seq.s32 s10, $0x1;
	s10 =	sld [smem:$0x3FB8]  }
0x3d: {  	_ =	shalt  }
0x3e: {  	_ =	shalt  }
0x3f: {  	_ =	shalt  }
0x40: {  	_ =	shalt  }
0x41: {  	_ =	shalt  }
0x42: {  	_ =	shalt  }
0x43: {  	_ =	shalt  }
0x44: {  	_ =	shalt  }
0x45: {  	_ =	shalt  }
0x46: {  	_ =	shalt  }
0x47: {  	_ =	shalt  }
0x48: {  	_ =	shalt  }
0x49: {  	_ =	shalt  }
0x4a: {  	_ =	shalt  }
0x4b: {  	_ =	shalt  }
0x4c: {  	_ =	shalt  }
0x4d: {  	_ =	shalt  }
0x4e: {  	_ =	shalt  }
0x4f: {  	_ =	shalt  }
0x50: {  	_ =	shalt  }
0x51: {  	_ =	shalt  }
0x52: {  	_ =	shalt  }
0x53: {  	_ =	shalt  }
0x54: {  	_ =	shalt  }
0x55: {  	_ =	shalt  }
0x56: {  	_ =	shalt  }
0x57: {  	_ =	shalt  }
0x58: {  	_ =	shalt  }
0x59: {  	_ =	shalt  }
0x5a: {  	_ =	shalt  }
0x5b: {  	_ =	shalt  }
0x5c: {  	_ =	shalt  }
0x5d: {  	_ =	shalt  }
0x5e: {  	_ =	shalt  }
0x5f: {  	_ =	shalt  }
0x60: {  	_ =	shalt  }
0x61: {  	_ =	shalt  }
0x62: {  	_ =	shalt  }
0x63: {  	_ =	shalt  }
0x64: {  	_ =	shalt  }
0x65: {  	_ =	shalt  }
0x66: {  	_ =	shalt  }
0x67: {  	_ =	shalt  }
0x68: {  	_ =	shalt  }
0x69: {  	_ =	shalt  }
0x6a: {  	_ =	shalt  }
0x6b: {  	_ =	shalt  }
0x6c: {  	_ =	shalt  }
0x6d: {  	_ =	shalt  }
0x6e: {  	_ =	shalt  }
0x6f: {  	_ =	shalt  }
0x70: {  	_ =	shalt  }
0x71: {  	_ =	shalt  }
0x72: {  	_ =	shalt  }
0x73: {  	_ =	shalt  }
0x74: {  	_ =	shalt  }
0x75: {  	_ =	shalt  }
0x76: {  	_ =	shalt  }
0x77: {  	_ =	shalt  }
0x78: {  	_ =	shalt  }
0x79: {  	_ =	shalt  }
0x7a: {  	_ =	shalt  }
0x7b: {  	_ =	shalt  }
0x7c: {  	_ =	shalt  }
0x7d: {  	_ =	shalt  }
0x7e: {  	_ =	shalt  }
0x7f: {  	_ =	shalt  }
0x80: {  	_ =	shalt  }
0x81: {  	_ =	shalt  }
0x82: {  	_ =	shalt  }
0x83: {  	_ =	shalt  }
0x84: {  	_ =	shalt  }
0x85: {  	_ =	shalt  }
0x86: {  	_ =	shalt  }
0x87: {  	_ =	shalt  }
.Lfunc_end0:
.L_simem_size_0:
called_computation.3_lowered:
.L_overlay_start_0:
0x88: {  	s2 =	sld [smem:$0x3FD9]  }
0x89: {  	s3 =	sld [smem:$0x3FFE];
	_ =	sdelay $0x1  }
0x8a: {  	s1 =	srdreg.scid  }
0x8b: {  	s0 =	sand.u32 $0x1, s1  }
0x8c: {  	s17 =	sshll.u32 s0, $0xA;
	s2 =	sadd.s32 s3, s2  }
0x8d: {  	s2 =	sadd.s32 s2, s17  }
0x8e: {  	[smem:$0x3FC4] =	sst s2  }
0x8f: {  	_ = 	snop  }
0x90: {  	(tm) =	ssettm $0x1  }
0x91: {  	s18 =	sld [smem:$0x3FFB];
	_ =	sdelay $0x3  }
0x92: {  	_ =	strace s18  }
0x93: {  	s2 =	sld [smem:$0x3FFC];
	_ =	sdelay $0x3  }
0x94: {  	_ =	strace s2  }
0x95: {  	s2 =	sld [smem:$0x3FFD];
	_ =	sdelay $0x3  }
0x96: {  	_ =	strace s2  }
0x97: {  	_ =	strace $0x8FFFFFFF  }
0x98: {  	s19 =	sld [smem:$0x3FDB];
	_ =	sdelay $0x1  }
0x99: {  	s20 =	simm.s32 $_scs_section_size  }
0x9a: {  	s4 =	simm.s32 $_size__tile_overlayer_lowered;
	s5 =	simm.s32 $_tile_overlayer_lowered  }
0x9b: {  	s6 =	simm.s32 $0x1BFF;
	s21 =	sshll.u32 s5, $0x1;
	s3 =	sadd.s32 s20, s19  }
0x9c: {  	s22 =	simm.s32 $0x0;
	s4 =	sshll.u32 s4, $0x1;
	s5 =	sadd.s32 s21, s3  }
0x9d: {  	[timem:s22], [sflag:s6] =	dma.local [hbm:s5], s4  }
0x9e: {  	_ =	swait.ge [sflag:s6], s4  }
0x9f: {  	s4 =	ssub.s32 $0x0, s4;
	[sflag:s6] =	ssyncset.done $0x0  }
0xa0: {  	[sflag:s6] =	ssyncadd.s32 s4;
	_ =	sdelay $0x1  }
0xa1: {  	s23 =	simm.s32 $0x1B8B  }
0xa2: {  	_ =	swait.ge [sflag:s23], $0x1  }
0xa3: {  	[sflag:s23] =	ssyncset.done $0x0  }
0xa4: {  	[sflag:s23] =	ssyncadd.s32 $0xFFFFFFFF  }
0xa5: {  	s4 =	sld [smem:$0x0]  }
0xa6: {  	s5 =	sand.u32 $0xFFFFFFFE, s1  }
0xa7: {  	p0 =	sne.s32 s1, s5  }
0xa8: {  	s5 =	sshll.u32 @p0 s5, $0xE  }
0xa9: {  	s5 =	sadd.s32 @p0 $0x11B8D, s5;
	s6 =	sshll.u32 @p0 s4, $0x11  }
0xaa: {  	s5 =	sor.u32 @p0 s6, s5  }
0xab: {  	[sflag:s5] =	ssyncadd.remote.s32 @p0 $0x1;
	_ =	sdelay $0x1  }
0xac: {  	s5 =	simm.s32 @p0 $0x1B8D  }
0xad: {  	_ =	swait.eq @p0 [sflag:s5], $0x1  }
0xae: {  	[sflag:s5] =	ssyncadd.s32 @p0 $0xFFFFFFFF  }
0xaf: {  	s6 =	sshll.u32 @!p0 s1, $0xE  }
0xb0: {  	s6 =	sor.u32 @!p0 $0x4000, s6;
	s5 =	simm.s32 @!p0 $0x1B8D  }
0xb1: {  	s4 =	sshll.u32 @!p0 s4, $0x11;
	s6 =	sadd.s32 @!p0 $0x11B8D, s6;
	_ =	swait.eq @!p0 [sflag:s5], $0x1  }
0xb2: {  	s4 =	sor.u32 @!p0 s4, s6;
	[sflag:s5] =	ssyncadd.s32 @!p0 $0xFFFFFFFF  }
0xb3: {  	s25 =	simm.s32 $0x1B8E;
	s24 =	sld [smem:$0x3FFE];
	[sflag:s4] =	ssyncadd.remote.s32 @!p0 $0x1  }
0xb4: {  	s26 =	simm.s32 $execute0_lowered;
	[smem:$0x3FD2] =	sst s25  }
0xb5: {  	s5 =	sshll.u32 s26, $0x1;
	_ =	strace $0x8000004F;
	[dreg:$0x1] =	wrdreg $0xFFFFFFFF  }
0xb6: {  	s28 =	simm.s32 $_size_execute0_lowered;
	s3 =	sadd.s32 s3, s5;
	[dreg:$0x0] =	wrdreg $0x0  }
0xb7: {  	s5 =	sshll.u32 s28, $0x1;
	[dreg:$0x2] =	wrdreg s3  }
0xb8: {  	[dreg:$0x3] =	wrdreg s5  }
0xb9: {  	[dreg:$0x4] =	wrdreg $0xC0  }
0xba: {  	_ =	task [dreg:s22], $0x5FFFF  }
0xbb: {  	[dreg:$0x1] =	wrdreg $0xFFFFFFFF  }
0xbc: {  	[dreg:$0x0] =	wrdreg $0x60  }
0xbd: {  	[dreg:$0x2] =	wrdreg s24  }
0xbe: {  	[dreg:$0x3] =	wrdreg $0xC  }
0xbf: {  	_ =	task.clear_ibuf [dreg:s22], $0x4FFFF;
	_ =	strace $0x9000004F  }
0xc0: {  	s29 =	simm.s32 $0xC;
	_ =	strace $0x80000051  }
0xc1: {  	_ =	swait.ge [sflag:s29], $0x1  }
0xc2: {  	[sflag:s29] =	ssyncadd.s32 $0xFFFFFFFF  }
0xc3: {  	_ =	strace $0x90000051  }
0xc4: {  	_ =	sfence  }
0xc5: {  	s30 =	sld [smem:$0x0];
	_ =	sdelay $0x2  }
0xc6: {  	s31 =	sshll.u32 s1, $0xD;
	s1 =	sshrl.u32 s1, $0x2  }
0xc7: {  	s4 =	sand.u32 $0x4000, s31;
	s1 =	sadd.s32 s1, s30  }
0xc8: {  	s0 =	sor.u32 s4, s0;
	s1 =	sshll.u32 s1, $0x11  }
0xc9: {  	s0 =	sor.u32 s1, s0  }
0xca: {  	s0 =	sadd.s32 $0x8F2B, s0  }
0xcb: {  	[sflag:s0] =	ssyncadd.remote.s32 $0x1  }
0xcc: {  	_ =	sfence.sel $0xFFFF  }
0xcd: {  	[dreg:$0x0] =	wrdreg $0xFFFFFFFF;
	(pc) =	sbr.abs _section_cstart, $3  }
0xce: {  	[dreg:$0x1] =	wrdreg $0xFFFFFFFF  }
0xcf: {  	_ =	task.clear_ibuf [dreg:s22], $0x2FFFF;
	_ =	strace $0x9FFFFFFF  }
0xd0: {  	(tm) =	ssettm $0x7FFFFFFF  }
0xd1: {  	_ =	shalt  }
tec
execute0_lowered:
.L_overlay_start_1:
0x0: {  	(tag) =	ssettag $0x1  }
0x1: {  	s4 =	rddreg [dreg:$0x0]  }
0x2: {  	s0 =	rddreg [dreg:$0x1]  }
0x3: {  	s3 =	srdreg.scid;
	s2 =	simm.s32 $0x0;
	s1 =	stileid.u32  }
0x4: {  	s10 =	simm.s32 $0x1900;
	s11 =	simm.s32 $0x3900;
	s12 =	simm.s32 $0x1  }
0x5: {  	s13 =	simm.s32 $0x40;
	s14 =	simm.s32 $0x0;
	s5 =	sand.u32 $0x1, s3  }
0x6: {  	[smem:$0x7FF] =	sst s2;
	s29 =	sshll.u32 s1, $0x8;
	s3 =	sadd.s32 $0x16000, s4  }
0x7: {  	s8 =	sshll.u32 s1, $0xC;
	s6 =	sshll.u32 s5, $0x7;
	_ =	strace $0x80000050  }
0x8: {  	s7 =	ssub.s32 $0x2, s5;
	s8 =	sadd.s32 s8, s4;
	s30 =	sshll.u32 s5, $0xB  }
0x9: {  	s6 =	sor.u32 s6, s29;
	s9 =	sshrl.u32 s7, $0x1;
	s31 =	sadd.s32 s30, s8  }
0xa: {  	s8 =	simm.s32 $0x1000;
	s6 =	sshrl.u32 s6, $0x3;
	s7 =	ssub.s32 s7, s9  }
0xb: {  	s9 =	simm.s32 $0x2;
	s6 =	sadd.s32 s6, s4;
	s5 =	smax.u32 s7, $0x1  }
0xc: {  	s7 =	simm.s32 $0x80;
	s4 =	sadd.s32 $0x1408400, s6;
	s6 =	sadd.s32 $0x140E800, s31  }
.LBB2_1:
0xd: {  	[tilespmem:s2], [sflag:$0x2] =	stream.strided.gather [hbm4b:s4+s7], $0x1900, s8, s7, $0x38;
	[tilespmem:$0x5900] =	vst v63  }
0xe: {  	_ =	swait.ge [sflag:s9], $0x1900  }
0xf: {  	[sflag:s9] =	ssyncset.done $0x0  }
0x10: {  	s15 =	simm.s32 $0x0;
	[sflag:s9] =	ssyncadd.s32 $0xFFFFE700  }
0x11: {  	[tilespmem:s10], [sflag:$0x1] =	stream.indirect.gather [hbm4b:s3+s7], $0x40, s15, s7, $0xb8;
	[tilespmem:$0x5900] =	vst v63  }
0x12: {  	s30 =	simm.s32 $0x80  }
0x13: {  	[tilespmem:s11], [sflag:$0x1] =	stream.indirect.gather [hbm4b:s3+s7], $0x40, s30, s7, $0xb8;
	[tilespmem:$0x5900] =	vst v63  }
0x14: {  	_ =	swait.ge [sflag:s12], $0x2000  }
0x15: {  	[sflag:s12] =	ssyncset.done $0x0  }
0x16: {  	[sflag:s12] =	ssyncadd.s32 $0xFFFFE000  }
0x17: {  	[hbm4b:s6+s13] =	stream.strided.scatter [tilespmem:s10], [sflag:$0x2], $0x2000, s7, s13, $0x38;
	[tilespmem:$0x5900] =	vst v63  }
0x18: {  	_ =	swait.ge [sflag:s9], $0x2000  }
0x19: {  	[sflag:s9] =	ssyncset.done $0x0  }
0x1a: {  	[sflag:s9] =	ssyncadd.s32 $0xFFFFE000  }
0x1b: {  	_ =	swait.ge [sflag:s12], $0x2000  }
0x1c: {  	[sflag:s12] =	ssyncset.done $0x0  }
0x1d: {  	s31 =	sadd.s32 $0x8, s6;
	[sflag:s12] =	ssyncadd.s32 $0xFFFFE000  }
0x1e: {  	[hbm4b:s31+s13] =	stream.strided.scatter [tilespmem:s11], [sflag:$0x2], $0x2000, s7, s13, $0x38;
	[tilespmem:$0x5900] =	vst v63  }
0x1f: {  	s16 =	simm.s32 $0x400;
	_ =	swait.ge [sflag:s9], $0x2000  }
0x20: {  	s17 =	simm.s32 $0x800;
	s15 =	sadd.s32 $0x10000, s6;
	[sflag:s9] =	ssyncset.done $0x0  }
.LBB2_2:
0x21: {  	s18 =	sshra.s32 s16, $0x2  }
0x22: {  	[sflag:s9] =	ssyncadd.s32 $0xFFFFE000;
	s16 =	smov.u32 s17;
	s19 =	sadd.s32 $0x400, s17  }
0x23: {  	[tilespmem:s10], [sflag:$0x1] =	stream.indirect.gather [hbm4b:s3+s7], $0x40, s18, s7, $0xb8;
	[tilespmem:$0x5900] =	vst v63  }
0x24: {  	p0 =	sne.s32 s17, $0x6000;
	s17 =	sadd.s32 $0x80, s18  }
0x25: {  	[tilespmem:s11], [sflag:$0x1] =	stream.indirect.gather [hbm4b:s3+s7], $0x40, s17, s7, $0xb8;
	[tilespmem:$0x5900] =	vst v63  }
0x26: {  	_ =	swait.ge [sflag:s12], $0x2000  }
0x27: {  	[sflag:s12] =	ssyncset.done $0x0  }
0x28: {  	[sflag:s12] =	ssyncadd.s32 $0xFFFFE000  }
0x29: {  	[hbm4b:s15+s13] =	stream.strided.scatter [tilespmem:s10], [sflag:$0x2], $0x2000, s7, s13, $0x38;
	[tilespmem:$0x5900] =	vst v63  }
0x2a: {  	_ =	swait.ge [sflag:s9], $0x2000  }
0x2b: {  	[sflag:s9] =	ssyncset.done $0x0  }
0x2c: {  	[sflag:s9] =	ssyncadd.s32 $0xFFFFE000  }
0x2d: {  	_ =	swait.ge [sflag:s12], $0x2000  }
.Ltmp0:
0x2e: {  	[sflag:s12] =	ssyncset.done $0x0;
	(pc) =	sbr.rel @p0 .LBB2_2-.Ltmp0, $4  }
0x2f: {  	s17 =	sadd.s32 $0x8, s15;
	[sflag:s12] =	ssyncadd.s32 $0xFFFFE000  }
0x30: {  	[hbm4b:s17+s13] =	stream.strided.scatter [tilespmem:s11], [sflag:$0x2], $0x2000, s7, s13, $0x38;
	[tilespmem:$0x5900] =	vst v63  }
0x31: {  	_ =	swait.ge [sflag:s9], $0x2000  }
0x32: {  	s15 =	sadd.s32 $0x10000, s15;
	s17 =	smov.u32 s19;
	[sflag:s9] =	ssyncset.done $0x0  }
0x33: {  	s16 =	sshra.s32 s16, $0x2;
	[sflag:s9] =	ssyncadd.s32 $0xFFFFE000  }
0x34: {  	[tilespmem:s10], [sflag:$0x1] =	stream.indirect.gather [hbm4b:s3+s7], $0x40, s16, s7, $0xb8;
	[tilespmem:$0x5900] =	vst v63  }
0x35: {  	s16 =	sadd.s32 $0x80, s16  }
0x36: {  	[tilespmem:s11], [sflag:$0x1] =	stream.indirect.gather [hbm4b:s3+s7], $0x40, s16, s7, $0xb8;
	[tilespmem:$0x5900] =	vst v63  }
0x37: {  	_ =	swait.ge [sflag:s12], $0x2000  }
0x38: {  	[sflag:s12] =	ssyncset.done $0x0  }
0x39: {  	[sflag:s12] =	ssyncadd.s32 $0xFFFFE000  }
0x3a: {  	[hbm4b:s15+s13] =	stream.strided.scatter [tilespmem:s10], [sflag:$0x2], $0x2000, s7, s13, $0x38;
	[tilespmem:$0x5900] =	vst v63  }
0x3b: {  	_ =	swait.ge [sflag:s9], $0x2000  }
0x3c: {  	[sflag:s9] =	ssyncset.done $0x0  }
0x3d: {  	[sflag:s9] =	ssyncadd.s32 $0xFFFFE000  }
0x3e: {  	s14 =	sadd.s32 $0x1, s14;
	_ =	swait.ge [sflag:s12], $0x2000  }
0x3f: {  	p0 =	sne.s32 s14, s5;
	[sflag:s12] =	ssyncset.done $0x0  }
.Ltmp1:
0x40: {  	s31 =	sadd.s32 $0x8, s15;
	[sflag:s12] =	ssyncadd.s32 $0xFFFFE000;
	(pc) =	sbr.rel @p0 .LBB2_1-.Ltmp1, $4  }
0x41: {  	[hbm4b:s31+s13] =	stream.strided.scatter [tilespmem:s11], [sflag:$0x2], $0x2000, s7, s13, $0x38;
	[tilespmem:$0x5900] =	vst v63  }
0x42: {  	_ =	swait.ge [sflag:s9], $0x2000  }
0x43: {  	[sflag:s9] =	ssyncset.done $0x0  }
0x44: {  	[sflag:s9] =	ssyncadd.s32 $0xFFFFE000  }
0x45: {  	_ =	sfence.sel $0x180000  }
0x46: {  	[bflag:$0x0] =	sbarrier.arrive $0xFFFF  }
0x47: {  	p0 =	sne.s32 s1, $0x0;
	_ =	strace $0x90000050  }
0x48: {  	s0 =	sadd.s32 @!p0 $0x100000, s0;
	[bflag:$0x2] =	sbarrier.arrive $0xFFFF  }
0x49: {  	[sflag:s0] =	ssyncadd.tile.s32 @!p0 $0x1;
	_ =	shalt  }
.Lfunc_end2:
_tile_overlayer_lowered:
.L_overlay_start_2:
0x4a: {  	(tag) =	ssettag $0x2  }
0x4b: {  	s0 =	rddreg [dreg:$0x0];
	s2 =	stileid.u32  }
0x4c: {  	s1 =	rddreg [dreg:$0x1];
	p0 =	sne.s32 s2, $0x0  }
0x4d: {  	s3 =	rddreg [dreg:$0x2];
	[bflag:$0x3] =	sbarrier.arrive $0xFFFF;
	s2 =	simm.s32 @!p0 $0x1C02  }
0x4e: {  	[timem:s3], [sflag:s2] =	dma.local @!p0 [hbm:s0], s1  }
0x4f: {  	s0 =	simm.s32 @!p0 $0x2  }
0x50: {  	_ =	swait.ge @!p0 [sflag:s0], s1  }
0x51: {  	s1 =	ssub.s32 @!p0 $0x0, s1;
	[sflag:s0] =	ssyncset.done @!p0 $0x0  }
0x52: {  	[sflag:s0] =	ssyncadd.s32 @!p0 s1  }
0x53: {  	[bflag:$0x3] =	sbarrier.arrive $0xFFFF  }
0x54: {  	_ =	shalt  }

</sc_bundles>
